<compile_context>
chip_gen: v7x
topology: tpu7x:2x2x1
jax: 0.10.2.dev20260603
libtpu: 0.0.44.dev20260713+nightly
codegen_flags: <defaults>
</compile_context>

<pallas_src>
import functools

import jax
import jax.numpy as jnp
from jax import lax
from jax.experimental import pallas as pl
from jax.experimental.pallas import tpu as pltpu
from jax.experimental.pallas import tpu_sc as plsc

_EPS = 1e-5
_CW = 128


def _sc_gather(table, idx3):
    nw, nch, cw = idx3.shape
    d = table.shape[1]
    mesh = plsc.VectorSubcoreMesh(core_axis_name="c", subcore_axis_name="s")

    @functools.partial(
        pl.kernel,
        mesh=mesh,
        out_type=jax.ShapeDtypeStruct((nw * nch * cw, d), jnp.float32),
        scratch_types=[
            pltpu.VMEM((nch, cw), jnp.int32),
            pltpu.VMEM((4, cw, d), jnp.float32),
            pltpu.SemaphoreType.DMA,
            pltpu.SemaphoreType.DMA,
            pltpu.SemaphoreType.DMA,
            pltpu.SemaphoreType.DMA,
        ],
        compiler_params=pltpu.CompilerParams(use_tc_tiling_on_sc=False),
    )
    def k(table_hbm, idx_hbm, out_hbm, idx_v, rows_v, sem0, sem1, sem2, sem3):
        wid = lax.axis_index("s") * 2 + lax.axis_index("c")
        base = wid * (nch * cw)
        sems = (sem0, sem1, sem2, sem3)
        pltpu.sync_copy(idx_hbm.at[wid], idx_v)

        for b in range(4):
            pltpu.async_copy(table_hbm.at[idx_v.at[b]], rows_v.at[b], sems[b])

        def quad(i, _):
            for b in range(4):
                j = 4 * i + b
                pltpu.make_async_copy(
                    table_hbm.at[idx_v.at[j]], rows_v.at[b], sems[b]
                ).wait()
                pltpu.sync_copy(rows_v.at[b],
                                out_hbm.at[pl.ds(base + j * cw, cw)])
                pltpu.async_copy(table_hbm.at[idx_v.at[j + 4]], rows_v.at[b],
                                 sems[b])
            return 0

        lax.fori_loop(0, nch // 4 - 1, quad, 0)

        for b in range(4):
            j = nch - 4 + b
            pltpu.make_async_copy(
                table_hbm.at[idx_v.at[j]], rows_v.at[b], sems[b]
            ).wait()
            pltpu.sync_copy(rows_v.at[b], out_hbm.at[pl.ds(base + j * cw, cw)])

    return k(table, idx3)


def _avg_mat():
    i = lax.broadcasted_iota(jnp.int32, (128, 128), 0)
    j = lax.broadcasted_iota(jnp.int32, (128, 128), 1)
    return jnp.where((i // 64) == (j // 64), 1.0 / 64.0, 0.0).astype(jnp.float32)


def _hm(y, m):
    return jax.lax.dot_general(y, m, (((1,), (0,)), ((), ())),
                               preferred_element_type=jnp.float32)


def _ln128(y, g, b, m):
    mu = _hm(y, m)
    q = _hm(y * y, m)
    r = lax.rsqrt(q - mu * mu + _EPS)
    return (y - mu) * r * g + b


def _bcast2(s, n):
    return jnp.concatenate(
        [jnp.broadcast_to(s[:, 0:1], (n, 64)),
         jnp.broadcast_to(s[:, 1:2], (n, 64))], axis=1)


def _tc_body(x_ref, v_ref, w_ref, bv_ref, tg_ref, tb_ref, vg_ref, vb_ref,
             fg_ref, fb_ref, o_ref):
    x = x_ref[...]
    n = x.shape[0]
    v = v_ref[...]
    m = _avg_mat()

    tok = _ln128(x, tg_ref[...], tb_ref[...], m)

    w = w_ref[...]
    bv = bv_ref[...]
    wm = jnp.sum(w[:, :64], axis=-1, keepdims=True) / 64.0
    bm = jnp.sum(bv[:, :64], axis=-1, keepdims=True) / 64.0
    wc = w - wm
    bc = bv - bm
    a2 = jnp.sum(wc[:, :64] * wc[:, :64], axis=-1, keepdims=True) / 64.0
    ab = jnp.sum(wc[:, :64] * bc[:, :64], axis=-1, keepdims=True) / 64.0
    b2 = jnp.sum(bc[:, :64] * bc[:, :64], axis=-1, keepdims=True) / 64.0
    inv = lax.rsqrt(a2 * v * v + 2.0 * ab * v + b2 + _EPS)
    sfull = _bcast2(v * inv, n)
    tfull = _bcast2(inv, n)
    vg = vg_ref[...]
    val = sfull * (wc * vg) + tfull * (bc * vg) + vb_ref[...]

    o_ref[...] = _ln128((tok + val) * 8.0, fg_ref[...], fb_ref[...], m)


def _tc_fused(g2, v2, w2, bv2, tg, tb, vg, vb, fg, fb, rows):
    bl2 = g2.shape[0]
    grid = (bl2 // rows,)
    wspec = pl.BlockSpec((1, 128), lambda i: (0, 0))
    return pl.pallas_call(
        _tc_body,
        grid=grid,
        in_specs=[
            pl.BlockSpec((rows, 128), lambda i: (i, 0)),
            pl.BlockSpec((rows, 2), lambda i: (i, 0)),
            wspec, wspec, wspec, wspec, wspec, wspec, wspec, wspec,
        ],
        out_specs=pl.BlockSpec((rows, 128), lambda i: (i, 0)),
        out_shape=jax.ShapeDtypeStruct((bl2, 128), jnp.float32),
    )(g2, v2, w2, bv2, tg, tb, vg, vb, fg, fb)


def kernel(tokens, values, table, W_val, b_val, tok_g, tok_b, val_g, val_b,
           fin_g, fin_b):
    b, l = tokens.shape
    d = table.shape[1]
    bl = b * l
    nw = 32
    nch = bl // (nw * _CW)

    t2 = lambda a: jnp.tile(a, 2).reshape(1, 128)
    ws = [t2(W_val), t2(b_val), t2(tok_g), t2(tok_b), t2(val_g), t2(val_b),
          t2(fin_g), t2(fin_b)]
    tok_flat = tokens.reshape(bl).astype(jnp.int32)
    val_flat = values.reshape(bl)
    half = bl // 2
    nch2 = half // (nw * _CW)
    outs = []
    for h in range(2):
        idx3 = lax.dynamic_slice(tok_flat, (h * half,), (half,)).reshape(
            nw, nch2, _CW)
        gathered = _sc_gather(table, idx3)
        vh = lax.dynamic_slice(val_flat, (h * half,), (half,)).reshape(
            half // 2, 2)
        outs.append(_tc_fused(gathered.reshape(half // 2, 128), vh, *ws,
                              rows=2048))
    out = jnp.concatenate(outs, axis=0)
    return (out.reshape(b, l, d), tokens != 0)

# --- scband reference (transcript-rebuilt; emitter-appended) ---
"""Pipeline reference for scband-ctembeddings-1752346656977 (READ-ONLY COPY).

The authoritative reference and input builder live on the scoring server;
editing this copy changes nothing except your own understanding.
"""

import jax, jax.numpy as jnp
import numpy as np

VOCAB = 100000
HID = 64
B = 4096
L = 200
EPS = 1e-5


def _layer_norm(x, g, b):
    mu = jnp.mean(x, axis=-1, keepdims=True)
    var = jnp.mean((x - mu) ** 2, axis=-1, keepdims=True)
    return (x - mu) / jnp.sqrt(var + EPS) * g + b


def setup_inputs(seed: int = 0) -> dict:
    key = jax.random.key(seed)
    k1, k2, k3, k4, k5 = jax.random.split(key, 5)
    tokens = jax.random.randint(k1, (B, L), 0, VOCAB, dtype=jnp.int64 if jax.config.jax_enable_x64 else jnp.int32)
    values = jax.random.normal(k2, (B, L), dtype=jnp.float32)
    table = jax.random.normal(k3, (VOCAB, HID), dtype=jnp.float32) * 0.02
    table = table.at[0].set(0.0)  # padding_idx=0
    W_val = jax.random.normal(k4, (HID,), dtype=jnp.float32) * 0.1
    b_val = jax.random.normal(k5, (HID,), dtype=jnp.float32) * 0.01
    tok_g = jnp.ones((HID,), dtype=jnp.float32)
    tok_b = jnp.zeros((HID,), dtype=jnp.float32)
    val_g = jnp.ones((HID,), dtype=jnp.float32)
    val_b = jnp.zeros((HID,), dtype=jnp.float32)
    fin_g = jnp.ones((HID,), dtype=jnp.float32)
    fin_b = jnp.zeros((HID,), dtype=jnp.float32)
    return {
        "tokens": tokens,
        "values": values,
        "table": table,
        "W_val": W_val,
        "b_val": b_val,
        "tok_g": tok_g,
        "tok_b": tok_b,
        "val_g": val_g,
        "val_b": val_b,
        "fin_g": fin_g,
        "fin_b": fin_b,
    }


def reference(tokens, values, table, W_val, b_val, tok_g, tok_b, val_g, val_b, fin_g, fin_b):
    padding_mask = tokens != 0
    token_embeddings = jnp.take(table, tokens, axis=0)  # [B, L, HID] gather
    # Linear(1 -> HID): values.unsqueeze(-1) @ W^T + b
    value_embeddings = values[..., None] * W_val + b_val
    token_emb = _layer_norm(token_embeddings, tok_g, tok_b)
    value_emb = _layer_norm(value_embeddings, val_g, val_b)
    scaling = jnp.sqrt(jnp.asarray(float(HID), dtype=jnp.float32))
    embeddings = (token_emb + value_emb) * scaling
    embeddings = _layer_norm(embeddings, fin_g, fin_b)
    return (embeddings, padding_mask)

if __name__ == "__main__":
    import jax
    _d = setup_inputs()
    print(jax.jit(kernel)(*tuple(_d.values())))

</pallas_src>

<mosaic_0001>
#map = affine_map<(d0, d1) -> (0, 0)>
#map1 = affine_map<(d0, d1) -> (0, 0, 0)>
module attributes {stable_mosaic.version = 14 : i64} {
  func.func @k(%arg0: i32, %arg1: i32, %arg2: memref<100000x64xf32, #tpu.memory_space<hbm>>, %arg3: memref<32x100x128xi32, #tpu.memory_space<hbm>>, %arg4: memref<409600x64xf32, #tpu.memory_space<hbm>>, %arg5: memref<100x128xi32, #tpu.memory_space<vmem>>, %arg6: memref<4x128x64xf32, #tpu.memory_space<vmem>>, %arg7: memref<!tpu.dma_semaphore, #tpu.memory_space<semaphore_mem>>, %arg8: memref<!tpu.dma_semaphore, #tpu.memory_space<semaphore_mem>>, %arg9: memref<!tpu.dma_semaphore, #tpu.memory_space<semaphore_mem>>, %arg10: memref<!tpu.dma_semaphore, #tpu.memory_space<semaphore_mem>>) attributes {dimension_semantics = [#tpu.dimension_semantics<core_parallel>, #tpu.dimension_semantics<subcore_parallel>], iteration_bounds = array<i64: 2, 16>, scalar_prefetch = 0 : i64, scratch_operands = 6 : i64, tpu.core_type = #tpu.core_type<sc_vector_subcore>, window_params = [{transform_indices = #map}, {transform_indices = #map1}, {transform_indices = #map}]} {
    %mul3A = arith.constant 2 : i32
    %mul3A_0 = arith.muli %arg1, %mul3A : i32
    %add3A = arith.addi %mul3A_0, %arg0 : i32
    %mul3A_1 = arith.constant 12800 : i32
    %mul3A_2 = arith.muli %add3A, %mul3A_1 : i32
    "tpu.region"() ({
      %run_scoped3A_114 = tpu.sem_alloc : memref<!tpu.dma_semaphore, #tpu.memory_space<semaphore_mem>>
      %dma_start3A_115 = arith.constant 0 : i32
      %dma_start3A_116 = arith.constant 0 : i32
      %dma_start3A_117 = tpu.memref_slice %arg3[%add3A, %dma_start3A_115, %dma_start3A_116] : memref<32x100x128xi32, #tpu.memory_space<hbm>> -> memref<1x100x128xi32, #tpu.memory_space<hbm>>
      %dma_start3A_118 = tpu.memref_squeeze %dma_start3A_117 : memref<1x100x128xi32, #tpu.memory_space<hbm>> -> memref<100x128xi32, #tpu.memory_space<hbm>>
      %dma_start3A_119 = arith.constant 0 : i32
      %dma_start3A_120 = arith.constant 0 : i32
      %dma_start3A_121 = tpu.memref_slice %arg3[%add3A, %dma_start3A_119, %dma_start3A_120] : memref<32x100x128xi32, #tpu.memory_space<hbm>> -> memref<1x100x128xi32, #tpu.memory_space<hbm>>
      %dma_start3A_122 = tpu.memref_squeeze %dma_start3A_121 : memref<1x100x128xi32, #tpu.memory_space<hbm>> -> memref<100x128xi32, #tpu.memory_space<hbm>>
      tpu.enqueue_dma source(%dma_start3A_122 : memref<100x128xi32, #tpu.memory_space<hbm>>) target(%arg5 : memref<100x128xi32, #tpu.memory_space<vmem>>) target_semaphore(%run_scoped3A_114 : memref<!tpu.dma_semaphore, #tpu.memory_space<semaphore_mem>>)
      %dma_wait3A_123 = arith.constant 0 : i32
      %dma_wait3A_124 = arith.constant 0 : i32
      %dma_wait3A_125 = tpu.memref_slice %arg3[%add3A, %dma_wait3A_123, %dma_wait3A_124] : memref<32x100x128xi32, #tpu.memory_space<hbm>> -> memref<1x100x128xi32, #tpu.memory_space<hbm>>
      %dma_wait3A_126 = tpu.memref_squeeze %dma_wait3A_125 : memref<1x100x128xi32, #tpu.memory_space<hbm>> -> memref<100x128xi32, #tpu.memory_space<hbm>>
      %dma_wait3A_127 = arith.constant 0 : i32
      %dma_wait3A_128 = arith.constant 0 : i32
      %dma_wait3A_129 = tpu.memref_slice %arg3[%add3A, %dma_wait3A_127, %dma_wait3A_128] : memref<32x100x128xi32, #tpu.memory_space<hbm>> -> memref<1x100x128xi32, #tpu.memory_space<hbm>>
      %dma_wait3A_130 = tpu.memref_squeeze %dma_wait3A_129 : memref<1x100x128xi32, #tpu.memory_space<hbm>> -> memref<100x128xi32, #tpu.memory_space<hbm>>
      tpu.wait_dma2 semaphore(%run_scoped3A_114 : memref<!tpu.dma_semaphore, #tpu.memory_space<semaphore_mem>>) src(%dma_wait3A_130 : memref<100x128xi32, #tpu.memory_space<hbm>>) dst(%arg5 : memref<100x128xi32, #tpu.memory_space<vmem>>)
      tpu.yield
    }) : () -> ()
    %dma_start3A = arith.constant 0 : i32
    %dma_start3A_3 = arith.constant 0 : i32
    %dma_start3A_4 = arith.constant 0 : i32
    %dma_start3A_5 = arith.constant 0 : i32
    %dma_start3A_6 = tpu.memref_slice %arg6[%dma_start3A_3, %dma_start3A_4, %dma_start3A_5] : memref<4x128x64xf32, #tpu.memory_space<vmem>> -> memref<1x128x64xf32, #tpu.memory_space<vmem>>
    %dma_start3A_7 = tpu.memref_squeeze %dma_start3A_6 : memref<1x128x64xf32, #tpu.memory_space<vmem>> -> memref<128x64xf32, #tpu.memory_space<vmem>>
    %dma_start3A_8 = arith.constant 0 : i32
    %dma_start3A_9 = tpu.memref_slice %arg5[%dma_start3A, %dma_start3A_8] : memref<100x128xi32, #tpu.memory_space<vmem>> -> memref<1x128xi32, #tpu.memory_space<vmem>>
    %dma_start3A_10 = tpu.memref_squeeze %dma_start3A_9 : memref<1x128xi32, #tpu.memory_space<vmem>> -> memref<128xi32, #tpu.memory_space<vmem>>
    %dma_start3A_11 = arith.constant 0 : i32
    %dma_start3A_12 = arith.constant 0 : i32
    %dma_start3A_13 = tpu.memref_slice %arg2[%dma_start3A_11, %dma_start3A_12] : memref<100000x64xf32, #tpu.memory_space<hbm>> -> memref<100000x64xf32, #tpu.memory_space<hbm>>
    tpu.enqueue_indirect_dma source(%dma_start3A_13 : memref<100000x64xf32, #tpu.memory_space<hbm>>) target(%dma_start3A_7 : memref<128x64xf32, #tpu.memory_space<vmem>>) offsets(%dma_start3A_10 : memref<128xi32, #tpu.memory_space<vmem>>) semaphore(%arg7 : memref<!tpu.dma_semaphore, #tpu.memory_space<semaphore_mem>>)
    %dma_start3A_14 = arith.constant 1 : i32
    %dma_start3A_15 = arith.constant 1 : i32
    %dma_start3A_16 = arith.constant 0 : i32
    %dma_start3A_17 = arith.constant 0 : i32
    %dma_start3A_18 = tpu.memref_slice %arg6[%dma_start3A_15, %dma_start3A_16, %dma_start3A_17] : memref<4x128x64xf32, #tpu.memory_space<vmem>> -> memref<1x128x64xf32, #tpu.memory_space<vmem>>
    %dma_start3A_19 = tpu.memref_squeeze %dma_start3A_18 : memref<1x128x64xf32, #tpu.memory_space<vmem>> -> memref<128x64xf32, #tpu.memory_space<vmem>>
    %dma_start3A_20 = arith.constant 0 : i32
    %dma_start3A_21 = tpu.memref_slice %arg5[%dma_start3A_14, %dma_start3A_20] : memref<100x128xi32, #tpu.memory_space<vmem>> -> memref<1x128xi32, #tpu.memory_space<vmem>>
    %dma_start3A_22 = tpu.memref_squeeze %dma_start3A_21 : memref<1x128xi32, #tpu.memory_space<vmem>> -> memref<128xi32, #tpu.memory_space<vmem>>
    %dma_start3A_23 = arith.constant 0 : i32
    %dma_start3A_24 = arith.constant 0 : i32
    %dma_start3A_25 = tpu.memref_slice %arg2[%dma_start3A_23, %dma_start3A_24] : memref<100000x64xf32, #tpu.memory_space<hbm>> -> memref<100000x64xf32, #tpu.memory_space<hbm>>
    tpu.enqueue_indirect_dma source(%dma_start3A_25 : memref<100000x64xf32, #tpu.memory_space<hbm>>) target(%dma_start3A_19 : memref<128x64xf32, #tpu.memory_space<vmem>>) offsets(%dma_start3A_22 : memref<128xi32, #tpu.memory_space<vmem>>) semaphore(%arg8 : memref<!tpu.dma_semaphore, #tpu.memory_space<semaphore_mem>>)
    %dma_start3A_26 = arith.constant 2 : i32
    %dma_start3A_27 = arith.constant 2 : i32
    %dma_start3A_28 = arith.constant 0 : i32
    %dma_start3A_29 = arith.constant 0 : i32
    %dma_start3A_30 = tpu.memref_slice %arg6[%dma_start3A_27, %dma_start3A_28, %dma_start3A_29] : memref<4x128x64xf32, #tpu.memory_space<vmem>> -> memref<1x128x64xf32, #tpu.memory_space<vmem>>
    %dma_start3A_31 = tpu.memref_squeeze %dma_start3A_30 : memref<1x128x64xf32, #tpu.memory_space<vmem>> -> memref<128x64xf32, #tpu.memory_space<vmem>>
    %dma_start3A_32 = arith.constant 0 : i32
    %dma_start3A_33 = tpu.memref_slice %arg5[%dma_start3A_26, %dma_start3A_32] : memref<100x128xi32, #tpu.memory_space<vmem>> -> memref<1x128xi32, #tpu.memory_space<vmem>>
    %dma_start3A_34 = tpu.memref_squeeze %dma_start3A_33 : memref<1x128xi32, #tpu.memory_space<vmem>> -> memref<128xi32, #tpu.memory_space<vmem>>
    %dma_start3A_35 = arith.constant 0 : i32
    %dma_start3A_36 = arith.constant 0 : i32
    %dma_start3A_37 = tpu.memref_slice %arg2[%dma_start3A_35, %dma_start3A_36] : memref<100000x64xf32, #tpu.memory_space<hbm>> -> memref<100000x64xf32, #tpu.memory_space<hbm>>
    tpu.enqueue_indirect_dma source(%dma_start3A_37 : memref<100000x64xf32, #tpu.memory_space<hbm>>) target(%dma_start3A_31 : memref<128x64xf32, #tpu.memory_space<vmem>>) offsets(%dma_start3A_34 : memref<128xi32, #tpu.memory_space<vmem>>) semaphore(%arg9 : memref<!tpu.dma_semaphore, #tpu.memory_space<semaphore_mem>>)
    %dma_start3A_38 = arith.constant 3 : i32
    %dma_start3A_39 = arith.constant 3 : i32
    %dma_start3A_40 = arith.constant 0 : i32
    %dma_start3A_41 = arith.constant 0 : i32
    %dma_start3A_42 = tpu.memref_slice %arg6[%dma_start3A_39, %dma_start3A_40, %dma_start3A_41] : memref<4x128x64xf32, #tpu.memory_space<vmem>> -> memref<1x128x64xf32, #tpu.memory_space<vmem>>
    %dma_start3A_43 = tpu.memref_squeeze %dma_start3A_42 : memref<1x128x64xf32, #tpu.memory_space<vmem>> -> memref<128x64xf32, #tpu.memory_space<vmem>>
    %dma_start3A_44 = arith.constant 0 : i32
    %dma_start3A_45 = tpu.memref_slice %arg5[%dma_start3A_38, %dma_start3A_44] : memref<100x128xi32, #tpu.memory_space<vmem>> -> memref<1x128xi32, #tpu.memory_space<vmem>>
    %dma_start3A_46 = tpu.memref_squeeze %dma_start3A_45 : memref<1x128xi32, #tpu.memory_space<vmem>> -> memref<128xi32, #tpu.memory_space<vmem>>
    %dma_start3A_47 = arith.constant 0 : i32
    %dma_start3A_48 = arith.constant 0 : i32
    %dma_start3A_49 = tpu.memref_slice %arg2[%dma_start3A_47, %dma_start3A_48] : memref<100000x64xf32, #tpu.memory_space<hbm>> -> memref<100000x64xf32, #tpu.memory_space<hbm>>
    tpu.enqueue_indirect_dma source(%dma_start3A_49 : memref<100000x64xf32, #tpu.memory_space<hbm>>) target(%dma_start3A_43 : memref<128x64xf32, #tpu.memory_space<vmem>>) offsets(%dma_start3A_46 : memref<128xi32, #tpu.memory_space<vmem>>) semaphore(%arg10 : memref<!tpu.dma_semaphore, #tpu.memory_space<semaphore_mem>>)
    %scan3A = arith.constant 0 : i32
    %scan3A_50 = arith.constant 0 : i32
    %scan3A_51 = arith.constant 24 : i32
    %scan3A_52 = arith.addi %scan3A_50, %scan3A_51 : i32
    %scan3A_53 = arith.constant 1 : i32
    %scan3A_54 = scf.for %scan3A_114 = %scan3A_50 to %scan3A_52 step %scan3A_53 iter_args(%scan3A_115 = %scan3A) -> (i32)  : i32 {
      %mul3A_116 = arith.constant 4 : i32
      %mul3A_117 = arith.muli %mul3A_116, %scan3A_114 : i32
      %add3A_118 = arith.constant 0 : i32
      %add3A_119 = arith.addi %mul3A_117, %add3A_118 : i32
      %dma_wait3A_120 = arith.constant 0 : i32
      %dma_wait3A_121 = arith.constant 0 : i32
      %dma_wait3A_122 = arith.constant 0 : i32
      %dma_wait3A_123 = tpu.memref_slice %arg6[%dma_wait3A_120, %dma_wait3A_121, %dma_wait3A_122] : memref<4x128x64xf32, #tpu.memory_space<vmem>> -> memref<1x128x64xf32, #tpu.memory_space<vmem>>
      %dma_wait3A_124 = tpu.memref_squeeze %dma_wait3A_123 : memref<1x128x64xf32, #tpu.memory_space<vmem>> -> memref<128x64xf32, #tpu.memory_space<vmem>>
      %dma_wait3A_125 = arith.constant 0 : i32
      %dma_wait3A_126 = tpu.memref_slice %arg5[%add3A_119, %dma_wait3A_125] : memref<100x128xi32, #tpu.memory_space<vmem>> -> memref<1x128xi32, #tpu.memory_space<vmem>>
      %dma_wait3A_127 = tpu.memref_squeeze %dma_wait3A_126 : memref<1x128xi32, #tpu.memory_space<vmem>> -> memref<128xi32, #tpu.memory_space<vmem>>
      %dma_wait3A_128 = arith.constant 0 : i32
      %dma_wait3A_129 = arith.constant 0 : i32
      %dma_wait3A_130 = tpu.memref_slice %arg2[%dma_wait3A_128, %dma_wait3A_129] : memref<100000x64xf32, #tpu.memory_space<hbm>> -> memref<100000x64xf32, #tpu.memory_space<hbm>>
      tpu.wait_indirect_dma semaphore(%arg7 : memref<!tpu.dma_semaphore, #tpu.memory_space<semaphore_mem>>) src(%dma_wait3A_130 : memref<100000x64xf32, #tpu.memory_space<hbm>>) dst(%dma_wait3A_124 : memref<128x64xf32, #tpu.memory_space<vmem>>)
      %mul3A_131 = arith.constant 128 : i32
      %mul3A_132 = arith.muli %add3A_119, %mul3A_131 : i32
      %add3A_133 = arith.addi %mul3A_2, %mul3A_132 : i32
      %run_scoped3A_134 = arith.constant 0 : i32
      "tpu.region"() ({
        %run_scoped3A_245 = tpu.sem_alloc : memref<!tpu.dma_semaphore, #tpu.memory_space<semaphore_mem>>
        %dma_start3A_246 = arith.constant 0 : i32
        %dma_start3A_247 = arith.constant 0 : i32
        %dma_start3A_248 = tpu.memref_slice %arg6[%run_scoped3A_134, %dma_start3A_246, %dma_start3A_247] : memref<4x128x64xf32, #tpu.memory_space<vmem>> -> memref<1x128x64xf32, #tpu.memory_space<vmem>>
        %dma_start3A_249 = tpu.memref_squeeze %dma_start3A_248 : memref<1x128x64xf32, #tpu.memory_space<vmem>> -> memref<128x64xf32, #tpu.memory_space<vmem>>
        %dma_start3A_250 = arith.constant 0 : i32
        %dma_start3A_251 = tpu.memref_slice %arg4[%add3A_133, %dma_start3A_250] : memref<409600x64xf32, #tpu.memory_space<hbm>> -> memref<128x64xf32, #tpu.memory_space<hbm>>
        %dma_start3A_252 = arith.constant 0 : i32
        %dma_start3A_253 = tpu.memref_slice %arg4[%add3A_133, %dma_start3A_252] : memref<409600x64xf32, #tpu.memory_space<hbm>> -> memref<128x64xf32, #tpu.memory_space<hbm>>
        %dma_start3A_254 = arith.constant 0 : i32
        %dma_start3A_255 = arith.constant 0 : i32
        %dma_start3A_256 = tpu.memref_slice %arg6[%run_scoped3A_134, %dma_start3A_254, %dma_start3A_255] : memref<4x128x64xf32, #tpu.memory_space<vmem>> -> memref<1x128x64xf32, #tpu.memory_space<vmem>>
        %dma_start3A_257 = tpu.memref_squeeze %dma_start3A_256 : memref<1x128x64xf32, #tpu.memory_space<vmem>> -> memref<128x64xf32, #tpu.memory_space<vmem>>
        tpu.enqueue_dma source(%dma_start3A_257 : memref<128x64xf32, #tpu.memory_space<vmem>>) target(%dma_start3A_253 : memref<128x64xf32, #tpu.memory_space<hbm>>) target_semaphore(%run_scoped3A_245 : memref<!tpu.dma_semaphore, #tpu.memory_space<semaphore_mem>>)
        %dma_wait3A_258 = arith.constant 0 : i32
        %dma_wait3A_259 = arith.constant 0 : i32
        %dma_wait3A_260 = tpu.memref_slice %arg6[%run_scoped3A_134, %dma_wait3A_258, %dma_wait3A_259] : memref<4x128x64xf32, #tpu.memory_space<vmem>> -> memref<1x128x64xf32, #tpu.memory_space<vmem>>
        %dma_wait3A_261 = tpu.memref_squeeze %dma_wait3A_260 : memref<1x128x64xf32, #tpu.memory_space<vmem>> -> memref<128x64xf32, #tpu.memory_space<vmem>>
        %dma_wait3A_262 = arith.constant 0 : i32
        %dma_wait3A_263 = tpu.memref_slice %arg4[%add3A_133, %dma_wait3A_262] : memref<409600x64xf32, #tpu.memory_space<hbm>> -> memref<128x64xf32, #tpu.memory_space<hbm>>
        %dma_wait3A_264 = arith.constant 0 : i32
        %dma_wait3A_265 = tpu.memref_slice %arg4[%add3A_133, %dma_wait3A_264] : memref<409600x64xf32, #tpu.memory_space<hbm>> -> memref<128x64xf32, #tpu.memory_space<hbm>>
        %dma_wait3A_266 = arith.constant 0 : i32
        %dma_wait3A_267 = arith.constant 0 : i32
        %dma_wait3A_268 = tpu.memref_slice %arg6[%run_scoped3A_134, %dma_wait3A_266, %dma_wait3A_267] : memref<4x128x64xf32, #tpu.memory_space<vmem>> -> memref<1x128x64xf32, #tpu.memory_space<vmem>>
        %dma_wait3A_269 = tpu.memref_squeeze %dma_wait3A_268 : memref<1x128x64xf32, #tpu.memory_space<vmem>> -> memref<128x64xf32, #tpu.memory_space<vmem>>
        tpu.wait_dma2 semaphore(%run_scoped3A_245 : memref<!tpu.dma_semaphore, #tpu.memory_space<semaphore_mem>>) src(%dma_wait3A_269 : memref<128x64xf32, #tpu.memory_space<vmem>>) dst(%dma_wait3A_265 : memref<128x64xf32, #tpu.memory_space<hbm>>)
        tpu.yield
      }) : () -> ()
      %add3A_135 = arith.constant 4 : i32
      %add3A_136 = arith.addi %add3A_119, %add3A_135 : i32
      %dma_start3A_137 = arith.constant 0 : i32
      %dma_start3A_138 = arith.constant 0 : i32
      %dma_start3A_139 = arith.constant 0 : i32
      %dma_start3A_140 = tpu.memref_slice %arg6[%dma_start3A_137, %dma_start3A_138, %dma_start3A_139] : memref<4x128x64xf32, #tpu.memory_space<vmem>> -> memref<1x128x64xf32, #tpu.memory_space<vmem>>
      %dma_start3A_141 = tpu.memref_squeeze %dma_start3A_140 : memref<1x128x64xf32, #tpu.memory_space<vmem>> -> memref<128x64xf32, #tpu.memory_space<vmem>>
      %dma_start3A_142 = arith.constant 0 : i32
      %dma_start3A_143 = tpu.memref_slice %arg5[%add3A_136, %dma_start3A_142] : memref<100x128xi32, #tpu.memory_space<vmem>> -> memref<1x128xi32, #tpu.memory_space<vmem>>
      %dma_start3A_144 = tpu.memref_squeeze %dma_start3A_143 : memref<1x128xi32, #tpu.memory_space<vmem>> -> memref<128xi32, #tpu.memory_space<vmem>>
      %dma_start3A_145 = arith.constant 0 : i32
      %dma_start3A_146 = arith.constant 0 : i32
      %dma_start3A_147 = tpu.memref_slice %arg2[%dma_start3A_145, %dma_start3A_146] : memref<100000x64xf32, #tpu.memory_space<hbm>> -> memref<100000x64xf32, #tpu.memory_space<hbm>>
      tpu.enqueue_indirect_dma source(%dma_start3A_147 : memref<100000x64xf32, #tpu.memory_space<hbm>>) target(%dma_start3A_141 : memref<128x64xf32, #tpu.memory_space<vmem>>) offsets(%dma_start3A_144 : memref<128xi32, #tpu.memory_space<vmem>>) semaphore(%arg7 : memref<!tpu.dma_semaphore, #tpu.memory_space<semaphore_mem>>)
      %mul3A_148 = arith.constant 4 : i32
      %mul3A_149 = arith.muli %mul3A_148, %scan3A_114 : i32
      %add3A_150 = arith.constant 1 : i32
      %add3A_151 = arith.addi %mul3A_149, %add3A_150 : i32
      %dma_wait3A_152 = arith.constant 1 : i32
      %dma_wait3A_153 = arith.constant 0 : i32
      %dma_wait3A_154 = arith.constant 0 : i32
      %dma_wait3A_155 = tpu.memref_slice %arg6[%dma_wait3A_152, %dma_wait3A_153, %dma_wait3A_154] : memref<4x128x64xf32, #tpu.memory_space<vmem>> -> memref<1x128x64xf32, #tpu.memory_space<vmem>>
      %dma_wait3A_156 = tpu.memref_squeeze %dma_wait3A_155 : memref<1x128x64xf32, #tpu.memory_space<vmem>> -> memref<128x64xf32, #tpu.memory_space<vmem>>
      %dma_wait3A_157 = arith.constant 0 : i32
      %dma_wait3A_158 = tpu.memref_slice %arg5[%add3A_151, %dma_wait3A_157] : memref<100x128xi32, #tpu.memory_space<vmem>> -> memref<1x128xi32, #tpu.memory_space<vmem>>
      %dma_wait3A_159 = tpu.memref_squeeze %dma_wait3A_158 : memref<1x128xi32, #tpu.memory_space<vmem>> -> memref<128xi32, #tpu.memory_space<vmem>>
      %dma_wait3A_160 = arith.constant 0 : i32
      %dma_wait3A_161 = arith.constant 0 : i32
      %dma_wait3A_162 = tpu.memref_slice %arg2[%dma_wait3A_160, %dma_wait3A_161] : memref<100000x64xf32, #tpu.memory_space<hbm>> -> memref<100000x64xf32, #tpu.memory_space<hbm>>
      tpu.wait_indirect_dma semaphore(%arg8 : memref<!tpu.dma_semaphore, #tpu.memory_space<semaphore_mem>>) src(%dma_wait3A_162 : memref<100000x64xf32, #tpu.memory_space<hbm>>) dst(%dma_wait3A_156 : memref<128x64xf32, #tpu.memory_space<vmem>>)
      %mul3A_163 = arith.constant 128 : i32
      %mul3A_164 = arith.muli %add3A_151, %mul3A_163 : i32
      %add3A_165 = arith.addi %mul3A_2, %mul3A_164 : i32
      %run_scoped3A_166 = arith.constant 1 : i32
      "tpu.region"() ({
        %run_scoped3A_245 = tpu.sem_alloc : memref<!tpu.dma_semaphore, #tpu.memory_space<semaphore_mem>>
        %dma_start3A_246 = arith.constant 0 : i32
        %dma_start3A_247 = arith.constant 0 : i32
        %dma_start3A_248 = tpu.memref_slice %arg6[%run_scoped3A_166, %dma_start3A_246, %dma_start3A_247] : memref<4x128x64xf32, #tpu.memory_space<vmem>> -> memref<1x128x64xf32, #tpu.memory_space<vmem>>
        %dma_start3A_249 = tpu.memref_squeeze %dma_start3A_248 : memref<1x128x64xf32, #tpu.memory_space<vmem>> -> memref<128x64xf32, #tpu.memory_space<vmem>>
        %dma_start3A_250 = arith.constant 0 : i32
        %dma_start3A_251 = tpu.memref_slice %arg4[%add3A_165, %dma_start3A_250] : memref<409600x64xf32, #tpu.memory_space<hbm>> -> memref<128x64xf32, #tpu.memory_space<hbm>>
        %dma_start3A_252 = arith.constant 0 : i32
        %dma_start3A_253 = tpu.memref_slice %arg4[%add3A_165, %dma_start3A_252] : memref<409600x64xf32, #tpu.memory_space<hbm>> -> memref<128x64xf32, #tpu.memory_space<hbm>>
        %dma_start3A_254 = arith.constant 0 : i32
        %dma_start3A_255 = arith.constant 0 : i32
        %dma_start3A_256 = tpu.memref_slice %arg6[%run_scoped3A_166, %dma_start3A_254, %dma_start3A_255] : memref<4x128x64xf32, #tpu.memory_space<vmem>> -> memref<1x128x64xf32, #tpu.memory_space<vmem>>
        %dma_start3A_257 = tpu.memref_squeeze %dma_start3A_256 : memref<1x128x64xf32, #tpu.memory_space<vmem>> -> memref<128x64xf32, #tpu.memory_space<vmem>>
        tpu.enqueue_dma source(%dma_start3A_257 : memref<128x64xf32, #tpu.memory_space<vmem>>) target(%dma_start3A_253 : memref<128x64xf32, #tpu.memory_space<hbm>>) target_semaphore(%run_scoped3A_245 : memref<!tpu.dma_semaphore, #tpu.memory_space<semaphore_mem>>)
        %dma_wait3A_258 = arith.constant 0 : i32
        %dma_wait3A_259 = arith.constant 0 : i32
        %dma_wait3A_260 = tpu.memref_slice %arg6[%run_scoped3A_166, %dma_wait3A_258, %dma_wait3A_259] : memref<4x128x64xf32, #tpu.memory_space<vmem>> -> memref<1x128x64xf32, #tpu.memory_space<vmem>>
        %dma_wait3A_261 = tpu.memref_squeeze %dma_wait3A_260 : memref<1x128x64xf32, #tpu.memory_space<vmem>> -> memref<128x64xf32, #tpu.memory_space<vmem>>
        %dma_wait3A_262 = arith.constant 0 : i32
        %dma_wait3A_263 = tpu.memref_slice %arg4[%add3A_165, %dma_wait3A_262] : memref<409600x64xf32, #tpu.memory_space<hbm>> -> memref<128x64xf32, #tpu.memory_space<hbm>>
        %dma_wait3A_264 = arith.constant 0 : i32
        %dma_wait3A_265 = tpu.memref_slice %arg4[%add3A_165, %dma_wait3A_264] : memref<409600x64xf32, #tpu.memory_space<hbm>> -> memref<128x64xf32, #tpu.memory_space<hbm>>
        %dma_wait3A_266 = arith.constant 0 : i32
        %dma_wait3A_267 = arith.constant 0 : i32
        %dma_wait3A_268 = tpu.memref_slice %arg6[%run_scoped3A_166, %dma_wait3A_266, %dma_wait3A_267] : memref<4x128x64xf32, #tpu.memory_space<vmem>> -> memref<1x128x64xf32, #tpu.memory_space<vmem>>
        %dma_wait3A_269 = tpu.memref_squeeze %dma_wait3A_268 : memref<1x128x64xf32, #tpu.memory_space<vmem>> -> memref<128x64xf32, #tpu.memory_space<vmem>>
        tpu.wait_dma2 semaphore(%run_scoped3A_245 : memref<!tpu.dma_semaphore, #tpu.memory_space<semaphore_mem>>) src(%dma_wait3A_269 : memref<128x64xf32, #tpu.memory_space<vmem>>) dst(%dma_wait3A_265 : memref<128x64xf32, #tpu.memory_space<hbm>>)
        tpu.yield
      }) : () -> ()
      %add3A_167 = arith.constant 4 : i32
      %add3A_168 = arith.addi %add3A_151, %add3A_167 : i32
      %dma_start3A_169 = arith.constant 1 : i32
      %dma_start3A_170 = arith.constant 0 : i32
      %dma_start3A_171 = arith.constant 0 : i32
      %dma_start3A_172 = tpu.memref_slice %arg6[%dma_start3A_169, %dma_start3A_170, %dma_start3A_171] : memref<4x128x64xf32, #tpu.memory_space<vmem>> -> memref<1x128x64xf32, #tpu.memory_space<vmem>>
      %dma_start3A_173 = tpu.memref_squeeze %dma_start3A_172 : memref<1x128x64xf32, #tpu.memory_space<vmem>> -> memref<128x64xf32, #tpu.memory_space<vmem>>
      %dma_start3A_174 = arith.constant 0 : i32
      %dma_start3A_175 = tpu.memref_slice %arg5[%add3A_168, %dma_start3A_174] : memref<100x128xi32, #tpu.memory_space<vmem>> -> memref<1x128xi32, #tpu.memory_space<vmem>>
      %dma_start3A_176 = tpu.memref_squeeze %dma_start3A_175 : memref<1x128xi32, #tpu.memory_space<vmem>> -> memref<128xi32, #tpu.memory_space<vmem>>
      %dma_start3A_177 = arith.constant 0 : i32
      %dma_start3A_178 = arith.constant 0 : i32
      %dma_start3A_179 = tpu.memref_slice %arg2[%dma_start3A_177, %dma_start3A_178] : memref<100000x64xf32, #tpu.memory_space<hbm>> -> memref<100000x64xf32, #tpu.memory_space<hbm>>
      tpu.enqueue_indirect_dma source(%dma_start3A_179 : memref<100000x64xf32, #tpu.memory_space<hbm>>) target(%dma_start3A_173 : memref<128x64xf32, #tpu.memory_space<vmem>>) offsets(%dma_start3A_176 : memref<128xi32, #tpu.memory_space<vmem>>) semaphore(%arg8 : memref<!tpu.dma_semaphore, #tpu.memory_space<semaphore_mem>>)
      %mul3A_180 = arith.constant 4 : i32
      %mul3A_181 = arith.muli %mul3A_180, %scan3A_114 : i32
      %add3A_182 = arith.constant 2 : i32
      %add3A_183 = arith.addi %mul3A_181, %add3A_182 : i32
      %dma_wait3A_184 = arith.constant 2 : i32
      %dma_wait3A_185 = arith.constant 0 : i32
      %dma_wait3A_186 = arith.constant 0 : i32
      %dma_wait3A_187 = tpu.memref_slice %arg6[%dma_wait3A_184, %dma_wait3A_185, %dma_wait3A_186] : memref<4x128x64xf32, #tpu.memory_space<vmem>> -> memref<1x128x64xf32, #tpu.memory_space<vmem>>
      %dma_wait3A_188 = tpu.memref_squeeze %dma_wait3A_187 : memref<1x128x64xf32, #tpu.memory_space<vmem>> -> memref<128x64xf32, #tpu.memory_space<vmem>>
      %dma_wait3A_189 = arith.constant 0 : i32
      %dma_wait3A_190 = tpu.memref_slice %arg5[%add3A_183, %dma_wait3A_189] : memref<100x128xi32, #tpu.memory_space<vmem>> -> memref<1x128xi32, #tpu.memory_space<vmem>>
      %dma_wait3A_191 = tpu.memref_squeeze %dma_wait3A_190 : memref<1x128xi32, #tpu.memory_space<vmem>> -> memref<128xi32, #tpu.memory_space<vmem>>
      %dma_wait3A_192 = arith.constant 0 : i32
      %dma_wait3A_193 = arith.constant 0 : i32
      %dma_wait3A_194 = tpu.memref_slice %arg2[%dma_wait3A_192, %dma_wait3A_193] : memref<100000x64xf32, #tpu.memory_space<hbm>> -> memref<100000x64xf32, #tpu.memory_space<hbm>>
      tpu.wait_indirect_dma semaphore(%arg9 : memref<!tpu.dma_semaphore, #tpu.memory_space<semaphore_mem>>) src(%dma_wait3A_194 : memref<100000x64xf32, #tpu.memory_space<hbm>>) dst(%dma_wait3A_188 : memref<128x64xf32, #tpu.memory_space<vmem>>)
      %mul3A_195 = arith.constant 128 : i32
      %mul3A_196 = arith.muli %add3A_183, %mul3A_195 : i32
      %add3A_197 = arith.addi %mul3A_2, %mul3A_196 : i32
      %run_scoped3A_198 = arith.constant 2 : i32
      "tpu.region"() ({
        %run_scoped3A_245 = tpu.sem_alloc : memref<!tpu.dma_semaphore, #tpu.memory_space<semaphore_mem>>
        %dma_start3A_246 = arith.constant 0 : i32
        %dma_start3A_247 = arith.constant 0 : i32
        %dma_start3A_248 = tpu.memref_slice %arg6[%run_scoped3A_198, %dma_start3A_246, %dma_start3A_247] : memref<4x128x64xf32, #tpu.memory_space<vmem>> -> memref<1x128x64xf32, #tpu.memory_space<vmem>>
        %dma_start3A_249 = tpu.memref_squeeze %dma_start3A_248 : memref<1x128x64xf32, #tpu.memory_space<vmem>> -> memref<128x64xf32, #tpu.memory_space<vmem>>
        %dma_start3A_250 = arith.constant 0 : i32
        %dma_start3A_251 = tpu.memref_slice %arg4[%add3A_197, %dma_start3A_250] : memref<409600x64xf32, #tpu.memory_space<hbm>> -> memref<128x64xf32, #tpu.memory_space<hbm>>
        %dma_start3A_252 = arith.constant 0 : i32
        %dma_start3A_253 = tpu.memref_slice %arg4[%add3A_197, %dma_start3A_252] : memref<409600x64xf32, #tpu.memory_space<hbm>> -> memref<128x64xf32, #tpu.memory_space<hbm>>
        %dma_start3A_254 = arith.constant 0 : i32
        %dma_start3A_255 = arith.constant 0 : i32
        %dma_start3A_256 = tpu.memref_slice %arg6[%run_scoped3A_198, %dma_start3A_254, %dma_start3A_255] : memref<4x128x64xf32, #tpu.memory_space<vmem>> -> memref<1x128x64xf32, #tpu.memory_space<vmem>>
        %dma_start3A_257 = tpu.memref_squeeze %dma_start3A_256 : memref<1x128x64xf32, #tpu.memory_space<vmem>> -> memref<128x64xf32, #tpu.memory_space<vmem>>
        tpu.enqueue_dma source(%dma_start3A_257 : memref<128x64xf32, #tpu.memory_space<vmem>>) target(%dma_start3A_253 : memref<128x64xf32, #tpu.memory_space<hbm>>) target_semaphore(%run_scoped3A_245 : memref<!tpu.dma_semaphore, #tpu.memory_space<semaphore_mem>>)
        %dma_wait3A_258 = arith.constant 0 : i32
        %dma_wait3A_259 = arith.constant 0 : i32
        %dma_wait3A_260 = tpu.memref_slice %arg6[%run_scoped3A_198, %dma_wait3A_258, %dma_wait3A_259] : memref<4x128x64xf32, #tpu.memory_space<vmem>> -> memref<1x128x64xf32, #tpu.memory_space<vmem>>
        %dma_wait3A_261 = tpu.memref_squeeze %dma_wait3A_260 : memref<1x128x64xf32, #tpu.memory_space<vmem>> -> memref<128x64xf32, #tpu.memory_space<vmem>>
        %dma_wait3A_262 = arith.constant 0 : i32
        %dma_wait3A_263 = tpu.memref_slice %arg4[%add3A_197, %dma_wait3A_262] : memref<409600x64xf32, #tpu.memory_space<hbm>> -> memref<128x64xf32, #tpu.memory_space<hbm>>
        %dma_wait3A_264 = arith.constant 0 : i32
        %dma_wait3A_265 = tpu.memref_slice %arg4[%add3A_197, %dma_wait3A_264] : memref<409600x64xf32, #tpu.memory_space<hbm>> -> memref<128x64xf32, #tpu.memory_space<hbm>>
        %dma_wait3A_266 = arith.constant 0 : i32
        %dma_wait3A_267 = arith.constant 0 : i32
        %dma_wait3A_268 = tpu.memref_slice %arg6[%run_scoped3A_198, %dma_wait3A_266, %dma_wait3A_267] : memref<4x128x64xf32, #tpu.memory_space<vmem>> -> memref<1x128x64xf32, #tpu.memory_space<vmem>>
        %dma_wait3A_269 = tpu.memref_squeeze %dma_wait3A_268 : memref<1x128x64xf32, #tpu.memory_space<vmem>> -> memref<128x64xf32, #tpu.memory_space<vmem>>
        tpu.wait_dma2 semaphore(%run_scoped3A_245 : memref<!tpu.dma_semaphore, #tpu.memory_space<semaphore_mem>>) src(%dma_wait3A_269 : memref<128x64xf32, #tpu.memory_space<vmem>>) dst(%dma_wait3A_265 : memref<128x64xf32, #tpu.memory_space<hbm>>)
        tpu.yield
      }) : () -> ()
      %add3A_199 = arith.constant 4 : i32
      %add3A_200 = arith.addi %add3A_183, %add3A_199 : i32
      %dma_start3A_201 = arith.constant 2 : i32
      %dma_start3A_202 = arith.constant 0 : i32
      %dma_start3A_203 = arith.constant 0 : i32
      %dma_start3A_204 = tpu.memref_slice %arg6[%dma_start3A_201, %dma_start3A_202, %dma_start3A_203] : memref<4x128x64xf32, #tpu.memory_space<vmem>> -> memref<1x128x64xf32, #tpu.memory_space<vmem>>
      %dma_start3A_205 = tpu.memref_squeeze %dma_start3A_204 : memref<1x128x64xf32, #tpu.memory_space<vmem>> -> memref<128x64xf32, #tpu.memory_space<vmem>>
      %dma_start3A_206 = arith.constant 0 : i32
      %dma_start3A_207 = tpu.memref_slice %arg5[%add3A_200, %dma_start3A_206] : memref<100x128xi32, #tpu.memory_space<vmem>> -> memref<1x128xi32, #tpu.memory_space<vmem>>
      %dma_start3A_208 = tpu.memref_squeeze %dma_start3A_207 : memref<1x128xi32, #tpu.memory_space<vmem>> -> memref<128xi32, #tpu.memory_space<vmem>>
      %dma_start3A_209 = arith.constant 0 : i32
      %dma_start3A_210 = arith.constant 0 : i32
      %dma_start3A_211 = tpu.memref_slice %arg2[%dma_start3A_209, %dma_start3A_210] : memref<100000x64xf32, #tpu.memory_space<hbm>> -> memref<100000x64xf32, #tpu.memory_space<hbm>>
      tpu.enqueue_indirect_dma source(%dma_start3A_211 : memref<100000x64xf32, #tpu.memory_space<hbm>>) target(%dma_start3A_205 : memref<128x64xf32, #tpu.memory_space<vmem>>) offsets(%dma_start3A_208 : memref<128xi32, #tpu.memory_space<vmem>>) semaphore(%arg9 : memref<!tpu.dma_semaphore, #tpu.memory_space<semaphore_mem>>)
      %mul3A_212 = arith.constant 4 : i32
      %mul3A_213 = arith.muli %mul3A_212, %scan3A_114 : i32
      %add3A_214 = arith.constant 3 : i32
      %add3A_215 = arith.addi %mul3A_213, %add3A_214 : i32
      %dma_wait3A_216 = arith.constant 3 : i32
      %dma_wait3A_217 = arith.constant 0 : i32
      %dma_wait3A_218 = arith.constant 0 : i32
      %dma_wait3A_219 = tpu.memref_slice %arg6[%dma_wait3A_216, %dma_wait3A_217, %dma_wait3A_218] : memref<4x128x64xf32, #tpu.memory_space<vmem>> -> memref<1x128x64xf32, #tpu.memory_space<vmem>>
      %dma_wait3A_220 = tpu.memref_squeeze %dma_wait3A_219 : memref<1x128x64xf32, #tpu.memory_space<vmem>> -> memref<128x64xf32, #tpu.memory_space<vmem>>
      %dma_wait3A_221 = arith.constant 0 : i32
      %dma_wait3A_222 = tpu.memref_slice %arg5[%add3A_215, %dma_wait3A_221] : memref<100x128xi32, #tpu.memory_space<vmem>> -> memref<1x128xi32, #tpu.memory_space<vmem>>
      %dma_wait3A_223 = tpu.memref_squeeze %dma_wait3A_222 : memref<1x128xi32, #tpu.memory_space<vmem>> -> memref<128xi32, #tpu.memory_space<vmem>>
      %dma_wait3A_224 = arith.constant 0 : i32
      %dma_wait3A_225 = arith.constant 0 : i32
      %dma_wait3A_226 = tpu.memref_slice %arg2[%dma_wait3A_224, %dma_wait3A_225] : memref<100000x64xf32, #tpu.memory_space<hbm>> -> memref<100000x64xf32, #tpu.memory_space<hbm>>
      tpu.wait_indirect_dma semaphore(%arg10 : memref<!tpu.dma_semaphore, #tpu.memory_space<semaphore_mem>>) src(%dma_wait3A_226 : memref<100000x64xf32, #tpu.memory_space<hbm>>) dst(%dma_wait3A_220 : memref<128x64xf32, #tpu.memory_space<vmem>>)
      %mul3A_227 = arith.constant 128 : i32
      %mul3A_228 = arith.muli %add3A_215, %mul3A_227 : i32
      %add3A_229 = arith.addi %mul3A_2, %mul3A_228 : i32
      %run_scoped3A_230 = arith.constant 3 : i32
      "tpu.region"() ({
        %run_scoped3A_245 = tpu.sem_alloc : memref<!tpu.dma_semaphore, #tpu.memory_space<semaphore_mem>>
        %dma_start3A_246 = arith.constant 0 : i32
        %dma_start3A_247 = arith.constant 0 : i32
        %dma_start3A_248 = tpu.memref_slice %arg6[%run_scoped3A_230, %dma_start3A_246, %dma_start3A_247] : memref<4x128x64xf32, #tpu.memory_space<vmem>> -> memref<1x128x64xf32, #tpu.memory_space<vmem>>
        %dma_start3A_249 = tpu.memref_squeeze %dma_start3A_248 : memref<1x128x64xf32, #tpu.memory_space<vmem>> -> memref<128x64xf32, #tpu.memory_space<vmem>>
        %dma_start3A_250 = arith.constant 0 : i32
        %dma_start3A_251 = tpu.memref_slice %arg4[%add3A_229, %dma_start3A_250] : memref<409600x64xf32, #tpu.memory_space<hbm>> -> memref<128x64xf32, #tpu.memory_space<hbm>>
        %dma_start3A_252 = arith.constant 0 : i32
        %dma_start3A_253 = tpu.memref_slice %arg4[%add3A_229, %dma_start3A_252] : memref<409600x64xf32, #tpu.memory_space<hbm>> -> memref<128x64xf32, #tpu.memory_space<hbm>>
        %dma_start3A_254 = arith.constant 0 : i32
        %dma_start3A_255 = arith.constant 0 : i32
        %dma_start3A_256 = tpu.memref_slice %arg6[%run_scoped3A_230, %dma_start3A_254, %dma_start3A_255] : memref<4x128x64xf32, #tpu.memory_space<vmem>> -> memref<1x128x64xf32, #tpu.memory_space<vmem>>
        %dma_start3A_257 = tpu.memref_squeeze %dma_start3A_256 : memref<1x128x64xf32, #tpu.memory_space<vmem>> -> memref<128x64xf32, #tpu.memory_space<vmem>>
        tpu.enqueue_dma source(%dma_start3A_257 : memref<128x64xf32, #tpu.memory_space<vmem>>) target(%dma_start3A_253 : memref<128x64xf32, #tpu.memory_space<hbm>>) target_semaphore(%run_scoped3A_245 : memref<!tpu.dma_semaphore, #tpu.memory_space<semaphore_mem>>)
        %dma_wait3A_258 = arith.constant 0 : i32
        %dma_wait3A_259 = arith.constant 0 : i32
        %dma_wait3A_260 = tpu.memref_slice %arg6[%run_scoped3A_230, %dma_wait3A_258, %dma_wait3A_259] : memref<4x128x64xf32, #tpu.memory_space<vmem>> -> memref<1x128x64xf32, #tpu.memory_space<vmem>>
        %dma_wait3A_261 = tpu.memref_squeeze %dma_wait3A_260 : memref<1x128x64xf32, #tpu.memory_space<vmem>> -> memref<128x64xf32, #tpu.memory_space<vmem>>
        %dma_wait3A_262 = arith.constant 0 : i32
        %dma_wait3A_263 = tpu.memref_slice %arg4[%add3A_229, %dma_wait3A_262] : memref<409600x64xf32, #tpu.memory_space<hbm>> -> memref<128x64xf32, #tpu.memory_space<hbm>>
        %dma_wait3A_264 = arith.constant 0 : i32
        %dma_wait3A_265 = tpu.memref_slice %arg4[%add3A_229, %dma_wait3A_264] : memref<409600x64xf32, #tpu.memory_space<hbm>> -> memref<128x64xf32, #tpu.memory_space<hbm>>
        %dma_wait3A_266 = arith.constant 0 : i32
        %dma_wait3A_267 = arith.constant 0 : i32
        %dma_wait3A_268 = tpu.memref_slice %arg6[%run_scoped3A_230, %dma_wait3A_266, %dma_wait3A_267] : memref<4x128x64xf32, #tpu.memory_space<vmem>> -> memref<1x128x64xf32, #tpu.memory_space<vmem>>
        %dma_wait3A_269 = tpu.memref_squeeze %dma_wait3A_268 : memref<1x128x64xf32, #tpu.memory_space<vmem>> -> memref<128x64xf32, #tpu.memory_space<vmem>>
        tpu.wait_dma2 semaphore(%run_scoped3A_245 : memref<!tpu.dma_semaphore, #tpu.memory_space<semaphore_mem>>) src(%dma_wait3A_269 : memref<128x64xf32, #tpu.memory_space<vmem>>) dst(%dma_wait3A_265 : memref<128x64xf32, #tpu.memory_space<hbm>>)
        tpu.yield
      }) : () -> ()
      %add3A_231 = arith.constant 4 : i32
      %add3A_232 = arith.addi %add3A_215, %add3A_231 : i32
      %dma_start3A_233 = arith.constant 3 : i32
      %dma_start3A_234 = arith.constant 0 : i32
      %dma_start3A_235 = arith.constant 0 : i32
      %dma_start3A_236 = tpu.memref_slice %arg6[%dma_start3A_233, %dma_start3A_234, %dma_start3A_235] : memref<4x128x64xf32, #tpu.memory_space<vmem>> -> memref<1x128x64xf32, #tpu.memory_space<vmem>>
      %dma_start3A_237 = tpu.memref_squeeze %dma_start3A_236 : memref<1x128x64xf32, #tpu.memory_space<vmem>> -> memref<128x64xf32, #tpu.memory_space<vmem>>
      %dma_start3A_238 = arith.constant 0 : i32
      %dma_start3A_239 = tpu.memref_slice %arg5[%add3A_232, %dma_start3A_238] : memref<100x128xi32, #tpu.memory_space<vmem>> -> memref<1x128xi32, #tpu.memory_space<vmem>>
      %dma_start3A_240 = tpu.memref_squeeze %dma_start3A_239 : memref<1x128xi32, #tpu.memory_space<vmem>> -> memref<128xi32, #tpu.memory_space<vmem>>
      %dma_start3A_241 = arith.constant 0 : i32
      %dma_start3A_242 = arith.constant 0 : i32
      %dma_start3A_243 = tpu.memref_slice %arg2[%dma_start3A_241, %dma_start3A_242] : memref<100000x64xf32, #tpu.memory_space<hbm>> -> memref<100000x64xf32, #tpu.memory_space<hbm>>
      tpu.enqueue_indirect_dma source(%dma_start3A_243 : memref<100000x64xf32, #tpu.memory_space<hbm>>) target(%dma_start3A_237 : memref<128x64xf32, #tpu.memory_space<vmem>>) offsets(%dma_start3A_240 : memref<128xi32, #tpu.memory_space<vmem>>) semaphore(%arg10 : memref<!tpu.dma_semaphore, #tpu.memory_space<semaphore_mem>>)
      %scan3A_244 = arith.constant 0 : i32
      scf.yield %scan3A_244 : i32
    }
    %scan3A_55 = arith.constant 24 : i32
    %dma_wait3A = arith.constant 96 : i32
    %dma_wait3A_56 = arith.constant 0 : i32
    %dma_wait3A_57 = arith.constant 0 : i32
    %dma_wait3A_58 = arith.constant 0 : i32
    %dma_wait3A_59 = tpu.memref_slice %arg6[%dma_wait3A_56, %dma_wait3A_57, %dma_wait3A_58] : memref<4x128x64xf32, #tpu.memory_space<vmem>> -> memref<1x128x64xf32, #tpu.memory_space<vmem>>
    %dma_wait3A_60 = tpu.memref_squeeze %dma_wait3A_59 : memref<1x128x64xf32, #tpu.memory_space<vmem>> -> memref<128x64xf32, #tpu.memory_space<vmem>>
    %dma_wait3A_61 = arith.constant 0 : i32
    %dma_wait3A_62 = tpu.memref_slice %arg5[%dma_wait3A, %dma_wait3A_61] : memref<100x128xi32, #tpu.memory_space<vmem>> -> memref<1x128xi32, #tpu.memory_space<vmem>>
    %dma_wait3A_63 = tpu.memref_squeeze %dma_wait3A_62 : memref<1x128xi32, #tpu.memory_space<vmem>> -> memref<128xi32, #tpu.memory_space<vmem>>
    %dma_wait3A_64 = arith.constant 0 : i32
    %dma_wait3A_65 = arith.constant 0 : i32
    %dma_wait3A_66 = tpu.memref_slice %arg2[%dma_wait3A_64, %dma_wait3A_65] : memref<100000x64xf32, #tpu.memory_space<hbm>> -> memref<100000x64xf32, #tpu.memory_space<hbm>>
    tpu.wait_indirect_dma semaphore(%arg7 : memref<!tpu.dma_semaphore, #tpu.memory_space<semaphore_mem>>) src(%dma_wait3A_66 : memref<100000x64xf32, #tpu.memory_space<hbm>>) dst(%dma_wait3A_60 : memref<128x64xf32, #tpu.memory_space<vmem>>)
    %add3A_67 = arith.constant 12288 : i32
    %add3A_68 = arith.addi %mul3A_2, %add3A_67 : i32
    %run_scoped3A = arith.constant 0 : i32
    "tpu.region"() ({
      %run_scoped3A_114 = tpu.sem_alloc : memref<!tpu.dma_semaphore, #tpu.memory_space<semaphore_mem>>
      %dma_start3A_115 = arith.constant 0 : i32
      %dma_start3A_116 = arith.constant 0 : i32
      %dma_start3A_117 = tpu.memref_slice %arg6[%run_scoped3A, %dma_start3A_115, %dma_start3A_116] : memref<4x128x64xf32, #tpu.memory_space<vmem>> -> memref<1x128x64xf32, #tpu.memory_space<vmem>>
      %dma_start3A_118 = tpu.memref_squeeze %dma_start3A_117 : memref<1x128x64xf32, #tpu.memory_space<vmem>> -> memref<128x64xf32, #tpu.memory_space<vmem>>
      %dma_start3A_119 = arith.constant 0 : i32
      %dma_start3A_120 = tpu.memref_slice %arg4[%add3A_68, %dma_start3A_119] : memref<409600x64xf32, #tpu.memory_space<hbm>> -> memref<128x64xf32, #tpu.memory_space<hbm>>
      %dma_start3A_121 = arith.constant 0 : i32
      %dma_start3A_122 = tpu.memref_slice %arg4[%add3A_68, %dma_start3A_121] : memref<409600x64xf32, #tpu.memory_space<hbm>> -> memref<128x64xf32, #tpu.memory_space<hbm>>
      %dma_start3A_123 = arith.constant 0 : i32
      %dma_start3A_124 = arith.constant 0 : i32
      %dma_start3A_125 = tpu.memref_slice %arg6[%run_scoped3A, %dma_start3A_123, %dma_start3A_124] : memref<4x128x64xf32, #tpu.memory_space<vmem>> -> memref<1x128x64xf32, #tpu.memory_space<vmem>>
      %dma_start3A_126 = tpu.memref_squeeze %dma_start3A_125 : memref<1x128x64xf32, #tpu.memory_space<vmem>> -> memref<128x64xf32, #tpu.memory_space<vmem>>
      tpu.enqueue_dma source(%dma_start3A_126 : memref<128x64xf32, #tpu.memory_space<vmem>>) target(%dma_start3A_122 : memref<128x64xf32, #tpu.memory_space<hbm>>) target_semaphore(%run_scoped3A_114 : memref<!tpu.dma_semaphore, #tpu.memory_space<semaphore_mem>>)
      %dma_wait3A_127 = arith.constant 0 : i32
      %dma_wait3A_128 = arith.constant 0 : i32
      %dma_wait3A_129 = tpu.memref_slice %arg6[%run_scoped3A, %dma_wait3A_127, %dma_wait3A_128] : memref<4x128x64xf32, #tpu.memory_space<vmem>> -> memref<1x128x64xf32, #tpu.memory_space<vmem>>
      %dma_wait3A_130 = tpu.memref_squeeze %dma_wait3A_129 : memref<1x128x64xf32, #tpu.memory_space<vmem>> -> memref<128x64xf32, #tpu.memory_space<vmem>>
      %dma_wait3A_131 = arith.constant 0 : i32
      %dma_wait3A_132 = tpu.memref_slice %arg4[%add3A_68, %dma_wait3A_131] : memref<409600x64xf32, #tpu.memory_space<hbm>> -> memref<128x64xf32, #tpu.memory_space<hbm>>
      %dma_wait3A_133 = arith.constant 0 : i32
      %dma_wait3A_134 = tpu.memref_slice %arg4[%add3A_68, %dma_wait3A_133] : memref<409600x64xf32, #tpu.memory_space<hbm>> -> memref<128x64xf32, #tpu.memory_space<hbm>>
      %dma_wait3A_135 = arith.constant 0 : i32
      %dma_wait3A_136 = arith.constant 0 : i32
      %dma_wait3A_137 = tpu.memref_slice %arg6[%run_scoped3A, %dma_wait3A_135, %dma_wait3A_136] : memref<4x128x64xf32, #tpu.memory_space<vmem>> -> memref<1x128x64xf32, #tpu.memory_space<vmem>>
      %dma_wait3A_138 = tpu.memref_squeeze %dma_wait3A_137 : memref<1x128x64xf32, #tpu.memory_space<vmem>> -> memref<128x64xf32, #tpu.memory_space<vmem>>
      tpu.wait_dma2 semaphore(%run_scoped3A_114 : memref<!tpu.dma_semaphore, #tpu.memory_space<semaphore_mem>>) src(%dma_wait3A_138 : memref<128x64xf32, #tpu.memory_space<vmem>>) dst(%dma_wait3A_134 : memref<128x64xf32, #tpu.memory_space<hbm>>)
      tpu.yield
    }) : () -> ()
    %dma_wait3A_69 = arith.constant 97 : i32
    %dma_wait3A_70 = arith.constant 1 : i32
    %dma_wait3A_71 = arith.constant 0 : i32
    %dma_wait3A_72 = arith.constant 0 : i32
    %dma_wait3A_73 = tpu.memref_slice %arg6[%dma_wait3A_70, %dma_wait3A_71, %dma_wait3A_72] : memref<4x128x64xf32, #tpu.memory_space<vmem>> -> memref<1x128x64xf32, #tpu.memory_space<vmem>>
    %dma_wait3A_74 = tpu.memref_squeeze %dma_wait3A_73 : memref<1x128x64xf32, #tpu.memory_space<vmem>> -> memref<128x64xf32, #tpu.memory_space<vmem>>
    %dma_wait3A_75 = arith.constant 0 : i32
    %dma_wait3A_76 = tpu.memref_slice %arg5[%dma_wait3A_69, %dma_wait3A_75] : memref<100x128xi32, #tpu.memory_space<vmem>> -> memref<1x128xi32, #tpu.memory_space<vmem>>
    %dma_wait3A_77 = tpu.memref_squeeze %dma_wait3A_76 : memref<1x128xi32, #tpu.memory_space<vmem>> -> memref<128xi32, #tpu.memory_space<vmem>>
    %dma_wait3A_78 = arith.constant 0 : i32
    %dma_wait3A_79 = arith.constant 0 : i32
    %dma_wait3A_80 = tpu.memref_slice %arg2[%dma_wait3A_78, %dma_wait3A_79] : memref<100000x64xf32, #tpu.memory_space<hbm>> -> memref<100000x64xf32, #tpu.memory_space<hbm>>
    tpu.wait_indirect_dma semaphore(%arg8 : memref<!tpu.dma_semaphore, #tpu.memory_space<semaphore_mem>>) src(%dma_wait3A_80 : memref<100000x64xf32, #tpu.memory_space<hbm>>) dst(%dma_wait3A_74 : memref<128x64xf32, #tpu.memory_space<vmem>>)
    %add3A_81 = arith.constant 12416 : i32
    %add3A_82 = arith.addi %mul3A_2, %add3A_81 : i32
    %run_scoped3A_83 = arith.constant 1 : i32
    "tpu.region"() ({
      %run_scoped3A_114 = tpu.sem_alloc : memref<!tpu.dma_semaphore, #tpu.memory_space<semaphore_mem>>
      %dma_start3A_115 = arith.constant 0 : i32
      %dma_start3A_116 = arith.constant 0 : i32
      %dma_start3A_117 = tpu.memref_slice %arg6[%run_scoped3A_83, %dma_start3A_115, %dma_start3A_116] : memref<4x128x64xf32, #tpu.memory_space<vmem>> -> memref<1x128x64xf32, #tpu.memory_space<vmem>>
      %dma_start3A_118 = tpu.memref_squeeze %dma_start3A_117 : memref<1x128x64xf32, #tpu.memory_space<vmem>> -> memref<128x64xf32, #tpu.memory_space<vmem>>
      %dma_start3A_119 = arith.constant 0 : i32
      %dma_start3A_120 = tpu.memref_slice %arg4[%add3A_82, %dma_start3A_119] : memref<409600x64xf32, #tpu.memory_space<hbm>> -> memref<128x64xf32, #tpu.memory_space<hbm>>
      %dma_start3A_121 = arith.constant 0 : i32
      %dma_start3A_122 = tpu.memref_slice %arg4[%add3A_82, %dma_start3A_121] : memref<409600x64xf32, #tpu.memory_space<hbm>> -> memref<128x64xf32, #tpu.memory_space<hbm>>
      %dma_start3A_123 = arith.constant 0 : i32
      %dma_start3A_124 = arith.constant 0 : i32
      %dma_start3A_125 = tpu.memref_slice %arg6[%run_scoped3A_83, %dma_start3A_123, %dma_start3A_124] : memref<4x128x64xf32, #tpu.memory_space<vmem>> -> memref<1x128x64xf32, #tpu.memory_space<vmem>>
      %dma_start3A_126 = tpu.memref_squeeze %dma_start3A_125 : memref<1x128x64xf32, #tpu.memory_space<vmem>> -> memref<128x64xf32, #tpu.memory_space<vmem>>
      tpu.enqueue_dma source(%dma_start3A_126 : memref<128x64xf32, #tpu.memory_space<vmem>>) target(%dma_start3A_122 : memref<128x64xf32, #tpu.memory_space<hbm>>) target_semaphore(%run_scoped3A_114 : memref<!tpu.dma_semaphore, #tpu.memory_space<semaphore_mem>>)
      %dma_wait3A_127 = arith.constant 0 : i32
      %dma_wait3A_128 = arith.constant 0 : i32
      %dma_wait3A_129 = tpu.memref_slice %arg6[%run_scoped3A_83, %dma_wait3A_127, %dma_wait3A_128] : memref<4x128x64xf32, #tpu.memory_space<vmem>> -> memref<1x128x64xf32, #tpu.memory_space<vmem>>
      %dma_wait3A_130 = tpu.memref_squeeze %dma_wait3A_129 : memref<1x128x64xf32, #tpu.memory_space<vmem>> -> memref<128x64xf32, #tpu.memory_space<vmem>>
      %dma_wait3A_131 = arith.constant 0 : i32
      %dma_wait3A_132 = tpu.memref_slice %arg4[%add3A_82, %dma_wait3A_131] : memref<409600x64xf32, #tpu.memory_space<hbm>> -> memref<128x64xf32, #tpu.memory_space<hbm>>
      %dma_wait3A_133 = arith.constant 0 : i32
      %dma_wait3A_134 = tpu.memref_slice %arg4[%add3A_82, %dma_wait3A_133] : memref<409600x64xf32, #tpu.memory_space<hbm>> -> memref<128x64xf32, #tpu.memory_space<hbm>>
      %dma_wait3A_135 = arith.constant 0 : i32
      %dma_wait3A_136 = arith.constant 0 : i32
      %dma_wait3A_137 = tpu.memref_slice %arg6[%run_scoped3A_83, %dma_wait3A_135, %dma_wait3A_136] : memref<4x128x64xf32, #tpu.memory_space<vmem>> -> memref<1x128x64xf32, #tpu.memory_space<vmem>>
      %dma_wait3A_138 = tpu.memref_squeeze %dma_wait3A_137 : memref<1x128x64xf32, #tpu.memory_space<vmem>> -> memref<128x64xf32, #tpu.memory_space<vmem>>
      tpu.wait_dma2 semaphore(%run_scoped3A_114 : memref<!tpu.dma_semaphore, #tpu.memory_space<semaphore_mem>>) src(%dma_wait3A_138 : memref<128x64xf32, #tpu.memory_space<vmem>>) dst(%dma_wait3A_134 : memref<128x64xf32, #tpu.memory_space<hbm>>)
      tpu.yield
    }) : () -> ()
    %dma_wait3A_84 = arith.constant 98 : i32
    %dma_wait3A_85 = arith.constant 2 : i32
    %dma_wait3A_86 = arith.constant 0 : i32
    %dma_wait3A_87 = arith.constant 0 : i32
    %dma_wait3A_88 = tpu.memref_slice %arg6[%dma_wait3A_85, %dma_wait3A_86, %dma_wait3A_87] : memref<4x128x64xf32, #tpu.memory_space<vmem>> -> memref<1x128x64xf32, #tpu.memory_space<vmem>>
    %dma_wait3A_89 = tpu.memref_squeeze %dma_wait3A_88 : memref<1x128x64xf32, #tpu.memory_space<vmem>> -> memref<128x64xf32, #tpu.memory_space<vmem>>
    %dma_wait3A_90 = arith.constant 0 : i32
    %dma_wait3A_91 = tpu.memref_slice %arg5[%dma_wait3A_84, %dma_wait3A_90] : memref<100x128xi32, #tpu.memory_space<vmem>> -> memref<1x128xi32, #tpu.memory_space<vmem>>
    %dma_wait3A_92 = tpu.memref_squeeze %dma_wait3A_91 : memref<1x128xi32, #tpu.memory_space<vmem>> -> memref<128xi32, #tpu.memory_space<vmem>>
    %dma_wait3A_93 = arith.constant 0 : i32
    %dma_wait3A_94 = arith.constant 0 : i32
    %dma_wait3A_95 = tpu.memref_slice %arg2[%dma_wait3A_93, %dma_wait3A_94] : memref<100000x64xf32, #tpu.memory_space<hbm>> -> memref<100000x64xf32, #tpu.memory_space<hbm>>
    tpu.wait_indirect_dma semaphore(%arg9 : memref<!tpu.dma_semaphore, #tpu.memory_space<semaphore_mem>>) src(%dma_wait3A_95 : memref<100000x64xf32, #tpu.memory_space<hbm>>) dst(%dma_wait3A_89 : memref<128x64xf32, #tpu.memory_space<vmem>>)
    %add3A_96 = arith.constant 12544 : i32
    %add3A_97 = arith.addi %mul3A_2, %add3A_96 : i32
    %run_scoped3A_98 = arith.constant 2 : i32
    "tpu.region"() ({
      %run_scoped3A_114 = tpu.sem_alloc : memref<!tpu.dma_semaphore, #tpu.memory_space<semaphore_mem>>
      %dma_start3A_115 = arith.constant 0 : i32
      %dma_start3A_116 = arith.constant 0 : i32
      %dma_start3A_117 = tpu.memref_slice %arg6[%run_scoped3A_98, %dma_start3A_115, %dma_start3A_116] : memref<4x128x64xf32, #tpu.memory_space<vmem>> -> memref<1x128x64xf32, #tpu.memory_space<vmem>>
      %dma_start3A_118 = tpu.memref_squeeze %dma_start3A_117 : memref<1x128x64xf32, #tpu.memory_space<vmem>> -> memref<128x64xf32, #tpu.memory_space<vmem>>
      %dma_start3A_119 = arith.constant 0 : i32
      %dma_start3A_120 = tpu.memref_slice %arg4[%add3A_97, %dma_start3A_119] : memref<409600x64xf32, #tpu.memory_space<hbm>> -> memref<128x64xf32, #tpu.memory_space<hbm>>
      %dma_start3A_121 = arith.constant 0 : i32
      %dma_start3A_122 = tpu.memref_slice %arg4[%add3A_97, %dma_start3A_121] : memref<409600x64xf32, #tpu.memory_space<hbm>> -> memref<128x64xf32, #tpu.memory_space<hbm>>
      %dma_start3A_123 = arith.constant 0 : i32
      %dma_start3A_124 = arith.constant 0 : i32
      %dma_start3A_125 = tpu.memref_slice %arg6[%run_scoped3A_98, %dma_start3A_123, %dma_start3A_124] : memref<4x128x64xf32, #tpu.memory_space<vmem>> -> memref<1x128x64xf32, #tpu.memory_space<vmem>>
      %dma_start3A_126 = tpu.memref_squeeze %dma_start3A_125 : memref<1x128x64xf32, #tpu.memory_space<vmem>> -> memref<128x64xf32, #tpu.memory_space<vmem>>
      tpu.enqueue_dma source(%dma_start3A_126 : memref<128x64xf32, #tpu.memory_space<vmem>>) target(%dma_start3A_122 : memref<128x64xf32, #tpu.memory_space<hbm>>) target_semaphore(%run_scoped3A_114 : memref<!tpu.dma_semaphore, #tpu.memory_space<semaphore_mem>>)
      %dma_wait3A_127 = arith.constant 0 : i32
      %dma_wait3A_128 = arith.constant 0 : i32
      %dma_wait3A_129 = tpu.memref_slice %arg6[%run_scoped3A_98, %dma_wait3A_127, %dma_wait3A_128] : memref<4x128x64xf32, #tpu.memory_space<vmem>> -> memref<1x128x64xf32, #tpu.memory_space<vmem>>
      %dma_wait3A_130 = tpu.memref_squeeze %dma_wait3A_129 : memref<1x128x64xf32, #tpu.memory_space<vmem>> -> memref<128x64xf32, #tpu.memory_space<vmem>>
      %dma_wait3A_131 = arith.constant 0 : i32
      %dma_wait3A_132 = tpu.memref_slice %arg4[%add3A_97, %dma_wait3A_131] : memref<409600x64xf32, #tpu.memory_space<hbm>> -> memref<128x64xf32, #tpu.memory_space<hbm>>
      %dma_wait3A_133 = arith.constant 0 : i32
      %dma_wait3A_134 = tpu.memref_slice %arg4[%add3A_97, %dma_wait3A_133] : memref<409600x64xf32, #tpu.memory_space<hbm>> -> memref<128x64xf32, #tpu.memory_space<hbm>>
      %dma_wait3A_135 = arith.constant 0 : i32
      %dma_wait3A_136 = arith.constant 0 : i32
      %dma_wait3A_137 = tpu.memref_slice %arg6[%run_scoped3A_98, %dma_wait3A_135, %dma_wait3A_136] : memref<4x128x64xf32, #tpu.memory_space<vmem>> -> memref<1x128x64xf32, #tpu.memory_space<vmem>>
      %dma_wait3A_138 = tpu.memref_squeeze %dma_wait3A_137 : memref<1x128x64xf32, #tpu.memory_space<vmem>> -> memref<128x64xf32, #tpu.memory_space<vmem>>
      tpu.wait_dma2 semaphore(%run_scoped3A_114 : memref<!tpu.dma_semaphore, #tpu.memory_space<semaphore_mem>>) src(%dma_wait3A_138 : memref<128x64xf32, #tpu.memory_space<vmem>>) dst(%dma_wait3A_134 : memref<128x64xf32, #tpu.memory_space<hbm>>)
      tpu.yield
    }) : () -> ()
    %dma_wait3A_99 = arith.constant 99 : i32
    %dma_wait3A_100 = arith.constant 3 : i32
    %dma_wait3A_101 = arith.constant 0 : i32
    %dma_wait3A_102 = arith.constant 0 : i32
    %dma_wait3A_103 = tpu.memref_slice %arg6[%dma_wait3A_100, %dma_wait3A_101, %dma_wait3A_102] : memref<4x128x64xf32, #tpu.memory_space<vmem>> -> memref<1x128x64xf32, #tpu.memory_space<vmem>>
    %dma_wait3A_104 = tpu.memref_squeeze %dma_wait3A_103 : memref<1x128x64xf32, #tpu.memory_space<vmem>> -> memref<128x64xf32, #tpu.memory_space<vmem>>
    %dma_wait3A_105 = arith.constant 0 : i32
    %dma_wait3A_106 = tpu.memref_slice %arg5[%dma_wait3A_99, %dma_wait3A_105] : memref<100x128xi32, #tpu.memory_space<vmem>> -> memref<1x128xi32, #tpu.memory_space<vmem>>
    %dma_wait3A_107 = tpu.memref_squeeze %dma_wait3A_106 : memref<1x128xi32, #tpu.memory_space<vmem>> -> memref<128xi32, #tpu.memory_space<vmem>>
    %dma_wait3A_108 = arith.constant 0 : i32
    %dma_wait3A_109 = arith.constant 0 : i32
    %dma_wait3A_110 = tpu.memref_slice %arg2[%dma_wait3A_108, %dma_wait3A_109] : memref<100000x64xf32, #tpu.memory_space<hbm>> -> memref<100000x64xf32, #tpu.memory_space<hbm>>
    tpu.wait_indirect_dma semaphore(%arg10 : memref<!tpu.dma_semaphore, #tpu.memory_space<semaphore_mem>>) src(%dma_wait3A_110 : memref<100000x64xf32, #tpu.memory_space<hbm>>) dst(%dma_wait3A_104 : memref<128x64xf32, #tpu.memory_space<vmem>>)
    %add3A_111 = arith.constant 12672 : i32
    %add3A_112 = arith.addi %mul3A_2, %add3A_111 : i32
    %run_scoped3A_113 = arith.constant 3 : i32
    "tpu.region"() ({
      %run_scoped3A_114 = tpu.sem_alloc : memref<!tpu.dma_semaphore, #tpu.memory_space<semaphore_mem>>
      %dma_start3A_115 = arith.constant 0 : i32
      %dma_start3A_116 = arith.constant 0 : i32
      %dma_start3A_117 = tpu.memref_slice %arg6[%run_scoped3A_113, %dma_start3A_115, %dma_start3A_116] : memref<4x128x64xf32, #tpu.memory_space<vmem>> -> memref<1x128x64xf32, #tpu.memory_space<vmem>>
      %dma_start3A_118 = tpu.memref_squeeze %dma_start3A_117 : memref<1x128x64xf32, #tpu.memory_space<vmem>> -> memref<128x64xf32, #tpu.memory_space<vmem>>
      %dma_start3A_119 = arith.constant 0 : i32
      %dma_start3A_120 = tpu.memref_slice %arg4[%add3A_112, %dma_start3A_119] : memref<409600x64xf32, #tpu.memory_space<hbm>> -> memref<128x64xf32, #tpu.memory_space<hbm>>
      %dma_start3A_121 = arith.constant 0 : i32
      %dma_start3A_122 = tpu.memref_slice %arg4[%add3A_112, %dma_start3A_121] : memref<409600x64xf32, #tpu.memory_space<hbm>> -> memref<128x64xf32, #tpu.memory_space<hbm>>
      %dma_start3A_123 = arith.constant 0 : i32
      %dma_start3A_124 = arith.constant 0 : i32
      %dma_start3A_125 = tpu.memref_slice %arg6[%run_scoped3A_113, %dma_start3A_123, %dma_start3A_124] : memref<4x128x64xf32, #tpu.memory_space<vmem>> -> memref<1x128x64xf32, #tpu.memory_space<vmem>>
      %dma_start3A_126 = tpu.memref_squeeze %dma_start3A_125 : memref<1x128x64xf32, #tpu.memory_space<vmem>> -> memref<128x64xf32, #tpu.memory_space<vmem>>
      tpu.enqueue_dma source(%dma_start3A_126 : memref<128x64xf32, #tpu.memory_space<vmem>>) target(%dma_start3A_122 : memref<128x64xf32, #tpu.memory_space<hbm>>) target_semaphore(%run_scoped3A_114 : memref<!tpu.dma_semaphore, #tpu.memory_space<semaphore_mem>>)
      %dma_wait3A_127 = arith.constant 0 : i32
      %dma_wait3A_128 = arith.constant 0 : i32
      %dma_wait3A_129 = tpu.memref_slice %arg6[%run_scoped3A_113, %dma_wait3A_127, %dma_wait3A_128] : memref<4x128x64xf32, #tpu.memory_space<vmem>> -> memref<1x128x64xf32, #tpu.memory_space<vmem>>
      %dma_wait3A_130 = tpu.memref_squeeze %dma_wait3A_129 : memref<1x128x64xf32, #tpu.memory_space<vmem>> -> memref<128x64xf32, #tpu.memory_space<vmem>>
      %dma_wait3A_131 = arith.constant 0 : i32
      %dma_wait3A_132 = tpu.memref_slice %arg4[%add3A_112, %dma_wait3A_131] : memref<409600x64xf32, #tpu.memory_space<hbm>> -> memref<128x64xf32, #tpu.memory_space<hbm>>
      %dma_wait3A_133 = arith.constant 0 : i32
      %dma_wait3A_134 = tpu.memref_slice %arg4[%add3A_112, %dma_wait3A_133] : memref<409600x64xf32, #tpu.memory_space<hbm>> -> memref<128x64xf32, #tpu.memory_space<hbm>>
      %dma_wait3A_135 = arith.constant 0 : i32
      %dma_wait3A_136 = arith.constant 0 : i32
      %dma_wait3A_137 = tpu.memref_slice %arg6[%run_scoped3A_113, %dma_wait3A_135, %dma_wait3A_136] : memref<4x128x64xf32, #tpu.memory_space<vmem>> -> memref<1x128x64xf32, #tpu.memory_space<vmem>>
      %dma_wait3A_138 = tpu.memref_squeeze %dma_wait3A_137 : memref<1x128x64xf32, #tpu.memory_space<vmem>> -> memref<128x64xf32, #tpu.memory_space<vmem>>
      tpu.wait_dma2 semaphore(%run_scoped3A_114 : memref<!tpu.dma_semaphore, #tpu.memory_space<semaphore_mem>>) src(%dma_wait3A_138 : memref<128x64xf32, #tpu.memory_space<vmem>>) dst(%dma_wait3A_134 : memref<128x64xf32, #tpu.memory_space<hbm>>)
      tpu.yield
    }) : () -> ()
    return
  }
}

#map = affine_map<(d0, d1) -> (0, 0)>
#map1 = affine_map<(d0, d1) -> (0, 0, 0)>
module attributes {stable_mosaic.version = 14 : i64} {
  func.func @k(%arg0: i32, %arg1: i32, %arg2: memref<100000x64xf32, #tpu.memory_space<hbm>>, %arg3: memref<32x100x128xi32, #tpu.memory_space<hbm>>, %arg4: memref<409600x64xf32, #tpu.memory_space<hbm>>, %arg5: memref<100x128xi32, #tpu.memory_space<vmem>>, %arg6: memref<4x128x64xf32, #tpu.memory_space<vmem>>, %arg7: memref<!tpu.dma_semaphore, #tpu.memory_space<semaphore_mem>>, %arg8: memref<!tpu.dma_semaphore, #tpu.memory_space<semaphore_mem>>, %arg9: memref<!tpu.dma_semaphore, #tpu.memory_space<semaphore_mem>>, %arg10: memref<!tpu.dma_semaphore, #tpu.memory_space<semaphore_mem>>) attributes {dimension_semantics = [#tpu.dimension_semantics<core_parallel>, #tpu.dimension_semantics<subcore_parallel>], iteration_bounds = array<i64: 2, 16>, scalar_prefetch = 0 : i64, scratch_operands = 6 : i64, tpu.core_type = #tpu.core_type<sc_vector_subcore>, window_params = [{transform_indices = #map}, {transform_indices = #map1}, {transform_indices = #map}]} {
    %mul3A = arith.constant 2 : i32
    %mul3A_0 = arith.muli %arg1, %mul3A : i32
    %add3A = arith.addi %mul3A_0, %arg0 : i32
    %mul3A_1 = arith.constant 12800 : i32
    %mul3A_2 = arith.muli %add3A, %mul3A_1 : i32
    "tpu.region"() ({
      %run_scoped3A_114 = tpu.sem_alloc : memref<!tpu.dma_semaphore, #tpu.memory_space<semaphore_mem>>
      %dma_start3A_115 = arith.constant 0 : i32
      %dma_start3A_116 = arith.constant 0 : i32
      %dma_start3A_117 = tpu.memref_slice %arg3[%add3A, %dma_start3A_115, %dma_start3A_116] : memref<32x100x128xi32, #tpu.memory_space<hbm>> -> memref<1x100x128xi32, #tpu.memory_space<hbm>>
      %dma_start3A_118 = tpu.memref_squeeze %dma_start3A_117 : memref<1x100x128xi32, #tpu.memory_space<hbm>> -> memref<100x128xi32, #tpu.memory_space<hbm>>
      %dma_start3A_119 = arith.constant 0 : i32
      %dma_start3A_120 = arith.constant 0 : i32
      %dma_start3A_121 = tpu.memref_slice %arg3[%add3A, %dma_start3A_119, %dma_start3A_120] : memref<32x100x128xi32, #tpu.memory_space<hbm>> -> memref<1x100x128xi32, #tpu.memory_space<hbm>>
      %dma_start3A_122 = tpu.memref_squeeze %dma_start3A_121 : memref<1x100x128xi32, #tpu.memory_space<hbm>> -> memref<100x128xi32, #tpu.memory_space<hbm>>
      tpu.enqueue_dma source(%dma_start3A_122 : memref<100x128xi32, #tpu.memory_space<hbm>>) target(%arg5 : memref<100x128xi32, #tpu.memory_space<vmem>>) target_semaphore(%run_scoped3A_114 : memref<!tpu.dma_semaphore, #tpu.memory_space<semaphore_mem>>)
      %dma_wait3A_123 = arith.constant 0 : i32
      %dma_wait3A_124 = arith.constant 0 : i32
      %dma_wait3A_125 = tpu.memref_slice %arg3[%add3A, %dma_wait3A_123, %dma_wait3A_124] : memref<32x100x128xi32, #tpu.memory_space<hbm>> -> memref<1x100x128xi32, #tpu.memory_space<hbm>>
      %dma_wait3A_126 = tpu.memref_squeeze %dma_wait3A_125 : memref<1x100x128xi32, #tpu.memory_space<hbm>> -> memref<100x128xi32, #tpu.memory_space<hbm>>
      %dma_wait3A_127 = arith.constant 0 : i32
      %dma_wait3A_128 = arith.constant 0 : i32
      %dma_wait3A_129 = tpu.memref_slice %arg3[%add3A, %dma_wait3A_127, %dma_wait3A_128] : memref<32x100x128xi32, #tpu.memory_space<hbm>> -> memref<1x100x128xi32, #tpu.memory_space<hbm>>
      %dma_wait3A_130 = tpu.memref_squeeze %dma_wait3A_129 : memref<1x100x128xi32, #tpu.memory_space<hbm>> -> memref<100x128xi32, #tpu.memory_space<hbm>>
      tpu.wait_dma2 semaphore(%run_scoped3A_114 : memref<!tpu.dma_semaphore, #tpu.memory_space<semaphore_mem>>) src(%dma_wait3A_130 : memref<100x128xi32, #tpu.memory_space<hbm>>) dst(%arg5 : memref<100x128xi32, #tpu.memory_space<vmem>>)
      tpu.yield
    }) : () -> ()
    %dma_start3A = arith.constant 0 : i32
    %dma_start3A_3 = arith.constant 0 : i32
    %dma_start3A_4 = arith.constant 0 : i32
    %dma_start3A_5 = arith.constant 0 : i32
    %dma_start3A_6 = tpu.memref_slice %arg6[%dma_start3A_3, %dma_start3A_4, %dma_start3A_5] : memref<4x128x64xf32, #tpu.memory_space<vmem>> -> memref<1x128x64xf32, #tpu.memory_space<vmem>>
    %dma_start3A_7 = tpu.memref_squeeze %dma_start3A_6 : memref<1x128x64xf32, #tpu.memory_space<vmem>> -> memref<128x64xf32, #tpu.memory_space<vmem>>
    %dma_start3A_8 = arith.constant 0 : i32
    %dma_start3A_9 = tpu.memref_slice %arg5[%dma_start3A, %dma_start3A_8] : memref<100x128xi32, #tpu.memory_space<vmem>> -> memref<1x128xi32, #tpu.memory_space<vmem>>
    %dma_start3A_10 = tpu.memref_squeeze %dma_start3A_9 : memref<1x128xi32, #tpu.memory_space<vmem>> -> memref<128xi32, #tpu.memory_space<vmem>>
    %dma_start3A_11 = arith.constant 0 : i32
    %dma_start3A_12 = arith.constant 0 : i32
    %dma_start3A_13 = tpu.memref_slice %arg2[%dma_start3A_11, %dma_start3A_12] : memref<100000x64xf32, #tpu.memory_space<hbm>> -> memref<100000x64xf32, #tpu.memory_space<hbm>>
    tpu.enqueue_indirect_dma source(%dma_start3A_13 : memref<100000x64xf32, #tpu.memory_space<hbm>>) target(%dma_start3A_7 : memref<128x64xf32, #tpu.memory_space<vmem>>) offsets(%dma_start3A_10 : memref<128xi32, #tpu.memory_space<vmem>>) semaphore(%arg7 : memref<!tpu.dma_semaphore, #tpu.memory_space<semaphore_mem>>)
    %dma_start3A_14 = arith.constant 1 : i32
    %dma_start3A_15 = arith.constant 1 : i32
    %dma_start3A_16 = arith.constant 0 : i32
    %dma_start3A_17 = arith.constant 0 : i32
    %dma_start3A_18 = tpu.memref_slice %arg6[%dma_start3A_15, %dma_start3A_16, %dma_start3A_17] : memref<4x128x64xf32, #tpu.memory_space<vmem>> -> memref<1x128x64xf32, #tpu.memory_space<vmem>>
    %dma_start3A_19 = tpu.memref_squeeze %dma_start3A_18 : memref<1x128x64xf32, #tpu.memory_space<vmem>> -> memref<128x64xf32, #tpu.memory_space<vmem>>
    %dma_start3A_20 = arith.constant 0 : i32
    %dma_start3A_21 = tpu.memref_slice %arg5[%dma_start3A_14, %dma_start3A_20] : memref<100x128xi32, #tpu.memory_space<vmem>> -> memref<1x128xi32, #tpu.memory_space<vmem>>
    %dma_start3A_22 = tpu.memref_squeeze %dma_start3A_21 : memref<1x128xi32, #tpu.memory_space<vmem>> -> memref<128xi32, #tpu.memory_space<vmem>>
    %dma_start3A_23 = arith.constant 0 : i32
    %dma_start3A_24 = arith.constant 0 : i32
    %dma_start3A_25 = tpu.memref_slice %arg2[%dma_start3A_23, %dma_start3A_24] : memref<100000x64xf32, #tpu.memory_space<hbm>> -> memref<100000x64xf32, #tpu.memory_space<hbm>>
    tpu.enqueue_indirect_dma source(%dma_start3A_25 : memref<100000x64xf32, #tpu.memory_space<hbm>>) target(%dma_start3A_19 : memref<128x64xf32, #tpu.memory_space<vmem>>) offsets(%dma_start3A_22 : memref<128xi32, #tpu.memory_space<vmem>>) semaphore(%arg8 : memref<!tpu.dma_semaphore, #tpu.memory_space<semaphore_mem>>)
    %dma_start3A_26 = arith.constant 2 : i32
    %dma_start3A_27 = arith.constant 2 : i32
    %dma_start3A_28 = arith.constant 0 : i32
    %dma_start3A_29 = arith.constant 0 : i32
    %dma_start3A_30 = tpu.memref_slice %arg6[%dma_start3A_27, %dma_start3A_28, %dma_start3A_29] : memref<4x128x64xf32, #tpu.memory_space<vmem>> -> memref<1x128x64xf32, #tpu.memory_space<vmem>>
    %dma_start3A_31 = tpu.memref_squeeze %dma_start3A_30 : memref<1x128x64xf32, #tpu.memory_space<vmem>> -> memref<128x64xf32, #tpu.memory_space<vmem>>
    %dma_start3A_32 = arith.constant 0 : i32
    %dma_start3A_33 = tpu.memref_slice %arg5[%dma_start3A_26, %dma_start3A_32] : memref<100x128xi32, #tpu.memory_space<vmem>> -> memref<1x128xi32, #tpu.memory_space<vmem>>
    %dma_start3A_34 = tpu.memref_squeeze %dma_start3A_33 : memref<1x128xi32, #tpu.memory_space<vmem>> -> memref<128xi32, #tpu.memory_space<vmem>>
    %dma_start3A_35 = arith.constant 0 : i32
    %dma_start3A_36 = arith.constant 0 : i32
    %dma_start3A_37 = tpu.memref_slice %arg2[%dma_start3A_35, %dma_start3A_36] : memref<100000x64xf32, #tpu.memory_space<hbm>> -> memref<100000x64xf32, #tpu.memory_space<hbm>>
    tpu.enqueue_indirect_dma source(%dma_start3A_37 : memref<100000x64xf32, #tpu.memory_space<hbm>>) target(%dma_start3A_31 : memref<128x64xf32, #tpu.memory_space<vmem>>) offsets(%dma_start3A_34 : memref<128xi32, #tpu.memory_space<vmem>>) semaphore(%arg9 : memref<!tpu.dma_semaphore, #tpu.memory_space<semaphore_mem>>)
    %dma_start3A_38 = arith.constant 3 : i32
    %dma_start3A_39 = arith.constant 3 : i32
    %dma_start3A_40 = arith.constant 0 : i32
    %dma_start3A_41 = arith.constant 0 : i32
    %dma_start3A_42 = tpu.memref_slice %arg6[%dma_start3A_39, %dma_start3A_40, %dma_start3A_41] : memref<4x128x64xf32, #tpu.memory_space<vmem>> -> memref<1x128x64xf32, #tpu.memory_space<vmem>>
    %dma_start3A_43 = tpu.memref_squeeze %dma_start3A_42 : memref<1x128x64xf32, #tpu.memory_space<vmem>> -> memref<128x64xf32, #tpu.memory_space<vmem>>
    %dma_start3A_44 = arith.constant 0 : i32
    %dma_start3A_45 = tpu.memref_slice %arg5[%dma_start3A_38, %dma_start3A_44] : memref<100x128xi32, #tpu.memory_space<vmem>> -> memref<1x128xi32, #tpu.memory_space<vmem>>
    %dma_start3A_46 = tpu.memref_squeeze %dma_start3A_45 : memref<1x128xi32, #tpu.memory_space<vmem>> -> memref<128xi32, #tpu.memory_space<vmem>>
    %dma_start3A_47 = arith.constant 0 : i32
    %dma_start3A_48 = arith.constant 0 : i32
    %dma_start3A_49 = tpu.memref_slice %arg2[%dma_start3A_47, %dma_start3A_48] : memref<100000x64xf32, #tpu.memory_space<hbm>> -> memref<100000x64xf32, #tpu.memory_space<hbm>>
    tpu.enqueue_indirect_dma source(%dma_start3A_49 : memref<100000x64xf32, #tpu.memory_space<hbm>>) target(%dma_start3A_43 : memref<128x64xf32, #tpu.memory_space<vmem>>) offsets(%dma_start3A_46 : memref<128xi32, #tpu.memory_space<vmem>>) semaphore(%arg10 : memref<!tpu.dma_semaphore, #tpu.memory_space<semaphore_mem>>)
    %scan3A = arith.constant 0 : i32
    %scan3A_50 = arith.constant 0 : i32
    %scan3A_51 = arith.constant 24 : i32
    %scan3A_52 = arith.addi %scan3A_50, %scan3A_51 : i32
    %scan3A_53 = arith.constant 1 : i32
    %scan3A_54 = scf.for %scan3A_114 = %scan3A_50 to %scan3A_52 step %scan3A_53 iter_args(%scan3A_115 = %scan3A) -> (i32)  : i32 {
      %mul3A_116 = arith.constant 4 : i32
      %mul3A_117 = arith.muli %mul3A_116, %scan3A_114 : i32
      %add3A_118 = arith.constant 0 : i32
      %add3A_119 = arith.addi %mul3A_117, %add3A_118 : i32
      %dma_wait3A_120 = arith.constant 0 : i32
      %dma_wait3A_121 = arith.constant 0 : i32
      %dma_wait3A_122 = arith.constant 0 : i32
      %dma_wait3A_123 = tpu.memref_slice %arg6[%dma_wait3A_120, %dma_wait3A_121, %dma_wait3A_122] : memref<4x128x64xf32, #tpu.memory_space<vmem>> -> memref<1x128x64xf32, #tpu.memory_space<vmem>>
      %dma_wait3A_124 = tpu.memref_squeeze %dma_wait3A_123 : memref<1x128x64xf32, #tpu.memory_space<vmem>> -> memref<128x64xf32, #tpu.memory_space<vmem>>
      %dma_wait3A_125 = arith.constant 0 : i32
      %dma_wait3A_126 = tpu.memref_slice %arg5[%add3A_119, %dma_wait3A_125] : memref<100x128xi32, #tpu.memory_space<vmem>> -> memref<1x128xi32, #tpu.memory_space<vmem>>
      %dma_wait3A_127 = tpu.memref_squeeze %dma_wait3A_126 : memref<1x128xi32, #tpu.memory_space<vmem>> -> memref<128xi32, #tpu.memory_space<vmem>>
      %dma_wait3A_128 = arith.constant 0 : i32
      %dma_wait3A_129 = arith.constant 0 : i32
      %dma_wait3A_130 = tpu.memref_slice %arg2[%dma_wait3A_128, %dma_wait3A_129] : memref<100000x64xf32, #tpu.memory_space<hbm>> -> memref<100000x64xf32, #tpu.memory_space<hbm>>
      tpu.wait_indirect_dma semaphore(%arg7 : memref<!tpu.dma_semaphore, #tpu.memory_space<semaphore_mem>>) src(%dma_wait3A_130 : memref<100000x64xf32, #tpu.memory_space<hbm>>) dst(%dma_wait3A_124 : memref<128x64xf32, #tpu.memory_space<vmem>>)
      %mul3A_131 = arith.constant 128 : i32
      %mul3A_132 = arith.muli %add3A_119, %mul3A_131 : i32
      %add3A_133 = arith.addi %mul3A_2, %mul3A_132 : i32
      %run_scoped3A_134 = arith.constant 0 : i32
      "tpu.region"() ({
        %run_scoped3A_245 = tpu.sem_alloc : memref<!tpu.dma_semaphore, #tpu.memory_space<semaphore_mem>>
        %dma_start3A_246 = arith.constant 0 : i32
        %dma_start3A_247 = arith.constant 0 : i32
        %dma_start3A_248 = tpu.memref_slice %arg6[%run_scoped3A_134, %dma_start3A_246, %dma_start3A_247] : memref<4x128x64xf32, #tpu.memory_space<vmem>> -> memref<1x128x64xf32, #tpu.memory_space<vmem>>
        %dma_start3A_249 = tpu.memref_squeeze %dma_start3A_248 : memref<1x128x64xf32, #tpu.memory_space<vmem>> -> memref<128x64xf32, #tpu.memory_space<vmem>>
        %dma_start3A_250 = arith.constant 0 : i32
        %dma_start3A_251 = tpu.memref_slice %arg4[%add3A_133, %dma_start3A_250] : memref<409600x64xf32, #tpu.memory_space<hbm>> -> memref<128x64xf32, #tpu.memory_space<hbm>>
        %dma_start3A_252 = arith.constant 0 : i32
        %dma_start3A_253 = tpu.memref_slice %arg4[%add3A_133, %dma_start3A_252] : memref<409600x64xf32, #tpu.memory_space<hbm>> -> memref<128x64xf32, #tpu.memory_space<hbm>>
        %dma_start3A_254 = arith.constant 0 : i32
        %dma_start3A_255 = arith.constant 0 : i32
        %dma_start3A_256 = tpu.memref_slice %arg6[%run_scoped3A_134, %dma_start3A_254, %dma_start3A_255] : memref<4x128x64xf32, #tpu.memory_space<vmem>> -> memref<1x128x64xf32, #tpu.memory_space<vmem>>
        %dma_start3A_257 = tpu.memref_squeeze %dma_start3A_256 : memref<1x128x64xf32, #tpu.memory_space<vmem>> -> memref<128x64xf32, #tpu.memory_space<vmem>>
        tpu.enqueue_dma source(%dma_start3A_257 : memref<128x64xf32, #tpu.memory_space<vmem>>) target(%dma_start3A_253 : memref<128x64xf32, #tpu.memory_space<hbm>>) target_semaphore(%run_scoped3A_245 : memref<!tpu.dma_semaphore, #tpu.memory_space<semaphore_mem>>)
        %dma_wait3A_258 = arith.constant 0 : i32
        %dma_wait3A_259 = arith.constant 0 : i32
        %dma_wait3A_260 = tpu.memref_slice %arg6[%run_scoped3A_134, %dma_wait3A_258, %dma_wait3A_259] : memref<4x128x64xf32, #tpu.memory_space<vmem>> -> memref<1x128x64xf32, #tpu.memory_space<vmem>>
        %dma_wait3A_261 = tpu.memref_squeeze %dma_wait3A_260 : memref<1x128x64xf32, #tpu.memory_space<vmem>> -> memref<128x64xf32, #tpu.memory_space<vmem>>
        %dma_wait3A_262 = arith.constant 0 : i32
        %dma_wait3A_263 = tpu.memref_slice %arg4[%add3A_133, %dma_wait3A_262] : memref<409600x64xf32, #tpu.memory_space<hbm>> -> memref<128x64xf32, #tpu.memory_space<hbm>>
        %dma_wait3A_264 = arith.constant 0 : i32
        %dma_wait3A_265 = tpu.memref_slice %arg4[%add3A_133, %dma_wait3A_264] : memref<409600x64xf32, #tpu.memory_space<hbm>> -> memref<128x64xf32, #tpu.memory_space<hbm>>
        %dma_wait3A_266 = arith.constant 0 : i32
        %dma_wait3A_267 = arith.constant 0 : i32
        %dma_wait3A_268 = tpu.memref_slice %arg6[%run_scoped3A_134, %dma_wait3A_266, %dma_wait3A_267] : memref<4x128x64xf32, #tpu.memory_space<vmem>> -> memref<1x128x64xf32, #tpu.memory_space<vmem>>
        %dma_wait3A_269 = tpu.memref_squeeze %dma_wait3A_268 : memref<1x128x64xf32, #tpu.memory_space<vmem>> -> memref<128x64xf32, #tpu.memory_space<vmem>>
        tpu.wait_dma2 semaphore(%run_scoped3A_245 : memref<!tpu.dma_semaphore, #tpu.memory_space<semaphore_mem>>) src(%dma_wait3A_269 : memref<128x64xf32, #tpu.memory_space<vmem>>) dst(%dma_wait3A_265 : memref<128x64xf32, #tpu.memory_space<hbm>>)
        tpu.yield
      }) : () -> ()
      %add3A_135 = arith.constant 4 : i32
      %add3A_136 = arith.addi %add3A_119, %add3A_135 : i32
      %dma_start3A_137 = arith.constant 0 : i32
      %dma_start3A_138 = arith.constant 0 : i32
      %dma_start3A_139 = arith.constant 0 : i32
      %dma_start3A_140 = tpu.memref_slice %arg6[%dma_start3A_137, %dma_start3A_138, %dma_start3A_139] : memref<4x128x64xf32, #tpu.memory_space<vmem>> -> memref<1x128x64xf32, #tpu.memory_space<vmem>>
      %dma_start3A_141 = tpu.memref_squeeze %dma_start3A_140 : memref<1x128x64xf32, #tpu.memory_space<vmem>> -> memref<128x64xf32, #tpu.memory_space<vmem>>
      %dma_start3A_142 = arith.constant 0 : i32
      %dma_start3A_143 = tpu.memref_slice %arg5[%add3A_136, %dma_start3A_142] : memref<100x128xi32, #tpu.memory_space<vmem>> -> memref<1x128xi32, #tpu.memory_space<vmem>>
      %dma_start3A_144 = tpu.memref_squeeze %dma_start3A_143 : memref<1x128xi32, #tpu.memory_space<vmem>> -> memref<128xi32, #tpu.memory_space<vmem>>
      %dma_start3A_145 = arith.constant 0 : i32
      %dma_start3A_146 = arith.constant 0 : i32
      %dma_start3A_147 = tpu.memref_slice %arg2[%dma_start3A_145, %dma_start3A_146] : memref<100000x64xf32, #tpu.memory_space<hbm>> -> memref<100000x64xf32, #tpu.memory_space<hbm>>
      tpu.enqueue_indirect_dma source(%dma_start3A_147 : memref<100000x64xf32, #tpu.memory_space<hbm>>) target(%dma_start3A_141 : memref<128x64xf32, #tpu.memory_space<vmem>>) offsets(%dma_start3A_144 : memref<128xi32, #tpu.memory_space<vmem>>) semaphore(%arg7 : memref<!tpu.dma_semaphore, #tpu.memory_space<semaphore_mem>>)
      %mul3A_148 = arith.constant 4 : i32
      %mul3A_149 = arith.muli %mul3A_148, %scan3A_114 : i32
      %add3A_150 = arith.constant 1 : i32
      %add3A_151 = arith.addi %mul3A_149, %add3A_150 : i32
      %dma_wait3A_152 = arith.constant 1 : i32
      %dma_wait3A_153 = arith.constant 0 : i32
      %dma_wait3A_154 = arith.constant 0 : i32
      %dma_wait3A_155 = tpu.memref_slice %arg6[%dma_wait3A_152, %dma_wait3A_153, %dma_wait3A_154] : memref<4x128x64xf32, #tpu.memory_space<vmem>> -> memref<1x128x64xf32, #tpu.memory_space<vmem>>
      %dma_wait3A_156 = tpu.memref_squeeze %dma_wait3A_155 : memref<1x128x64xf32, #tpu.memory_space<vmem>> -> memref<128x64xf32, #tpu.memory_space<vmem>>
      %dma_wait3A_157 = arith.constant 0 : i32
      %dma_wait3A_158 = tpu.memref_slice %arg5[%add3A_151, %dma_wait3A_157] : memref<100x128xi32, #tpu.memory_space<vmem>> -> memref<1x128xi32, #tpu.memory_space<vmem>>
      %dma_wait3A_159 = tpu.memref_squeeze %dma_wait3A_158 : memref<1x128xi32, #tpu.memory_space<vmem>> -> memref<128xi32, #tpu.memory_space<vmem>>
      %dma_wait3A_160 = arith.constant 0 : i32
      %dma_wait3A_161 = arith.constant 0 : i32
      %dma_wait3A_162 = tpu.memref_slice %arg2[%dma_wait3A_160, %dma_wait3A_161] : memref<100000x64xf32, #tpu.memory_space<hbm>> -> memref<100000x64xf32, #tpu.memory_space<hbm>>
      tpu.wait_indirect_dma semaphore(%arg8 : memref<!tpu.dma_semaphore, #tpu.memory_space<semaphore_mem>>) src(%dma_wait3A_162 : memref<100000x64xf32, #tpu.memory_space<hbm>>) dst(%dma_wait3A_156 : memref<128x64xf32, #tpu.memory_space<vmem>>)
      %mul3A_163 = arith.constant 128 : i32
      %mul3A_164 = arith.muli %add3A_151, %mul3A_163 : i32
      %add3A_165 = arith.addi %mul3A_2, %mul3A_164 : i32
      %run_scoped3A_166 = arith.constant 1 : i32
      "tpu.region"() ({
        %run_scoped3A_245 = tpu.sem_alloc : memref<!tpu.dma_semaphore, #tpu.memory_space<semaphore_mem>>
        %dma_start3A_246 = arith.constant 0 : i32
        %dma_start3A_247 = arith.constant 0 : i32
        %dma_start3A_248 = tpu.memref_slice %arg6[%run_scoped3A_166, %dma_start3A_246, %dma_start3A_247] : memref<4x128x64xf32, #tpu.memory_space<vmem>> -> memref<1x128x64xf32, #tpu.memory_space<vmem>>
        %dma_start3A_249 = tpu.memref_squeeze %dma_start3A_248 : memref<1x128x64xf32, #tpu.memory_space<vmem>> -> memref<128x64xf32, #tpu.memory_space<vmem>>
        %dma_start3A_250 = arith.constant 0 : i32
        %dma_start3A_251 = tpu.memref_slice %arg4[%add3A_165, %dma_start3A_250] : memref<409600x64xf32, #tpu.memory_space<hbm>> -> memref<128x64xf32, #tpu.memory_space<hbm>>
        %dma_start3A_252 = arith.constant 0 : i32
        %dma_start3A_253 = tpu.memref_slice %arg4[%add3A_165, %dma_start3A_252] : memref<409600x64xf32, #tpu.memory_space<hbm>> -> memref<128x64xf32, #tpu.memory_space<hbm>>
        %dma_start3A_254 = arith.constant 0 : i32
        %dma_start3A_255 = arith.constant 0 : i32
        %dma_start3A_256 = tpu.memref_slice %arg6[%run_scoped3A_166, %dma_start3A_254, %dma_start3A_255] : memref<4x128x64xf32, #tpu.memory_space<vmem>> -> memref<1x128x64xf32, #tpu.memory_space<vmem>>
        %dma_start3A_257 = tpu.memref_squeeze %dma_start3A_256 : memref<1x128x64xf32, #tpu.memory_space<vmem>> -> memref<128x64xf32, #tpu.memory_space<vmem>>
        tpu.enqueue_dma source(%dma_start3A_257 : memref<128x64xf32, #tpu.memory_space<vmem>>) target(%dma_start3A_253 : memref<128x64xf32, #tpu.memory_space<hbm>>) target_semaphore(%run_scoped3A_245 : memref<!tpu.dma_semaphore, #tpu.memory_space<semaphore_mem>>)
        %dma_wait3A_258 = arith.constant 0 : i32
        %dma_wait3A_259 = arith.constant 0 : i32
        %dma_wait3A_260 = tpu.memref_slice %arg6[%run_scoped3A_166, %dma_wait3A_258, %dma_wait3A_259] : memref<4x128x64xf32, #tpu.memory_space<vmem>> -> memref<1x128x64xf32, #tpu.memory_space<vmem>>
        %dma_wait3A_261 = tpu.memref_squeeze %dma_wait3A_260 : memref<1x128x64xf32, #tpu.memory_space<vmem>> -> memref<128x64xf32, #tpu.memory_space<vmem>>
        %dma_wait3A_262 = arith.constant 0 : i32
        %dma_wait3A_263 = tpu.memref_slice %arg4[%add3A_165, %dma_wait3A_262] : memref<409600x64xf32, #tpu.memory_space<hbm>> -> memref<128x64xf32, #tpu.memory_space<hbm>>
        %dma_wait3A_264 = arith.constant 0 : i32
        %dma_wait3A_265 = tpu.memref_slice %arg4[%add3A_165, %dma_wait3A_264] : memref<409600x64xf32, #tpu.memory_space<hbm>> -> memref<128x64xf32, #tpu.memory_space<hbm>>
        %dma_wait3A_266 = arith.constant 0 : i32
        %dma_wait3A_267 = arith.constant 0 : i32
        %dma_wait3A_268 = tpu.memref_slice %arg6[%run_scoped3A_166, %dma_wait3A_266, %dma_wait3A_267] : memref<4x128x64xf32, #tpu.memory_space<vmem>> -> memref<1x128x64xf32, #tpu.memory_space<vmem>>
        %dma_wait3A_269 = tpu.memref_squeeze %dma_wait3A_268 : memref<1x128x64xf32, #tpu.memory_space<vmem>> -> memref<128x64xf32, #tpu.memory_space<vmem>>
        tpu.wait_dma2 semaphore(%run_scoped3A_245 : memref<!tpu.dma_semaphore, #tpu.memory_space<semaphore_mem>>) src(%dma_wait3A_269 : memref<128x64xf32, #tpu.memory_space<vmem>>) dst(%dma_wait3A_265 : memref<128x64xf32, #tpu.memory_space<hbm>>)
        tpu.yield
      }) : () -> ()
      %add3A_167 = arith.constant 4 : i32
      %add3A_168 = arith.addi %add3A_151, %add3A_167 : i32
      %dma_start3A_169 = arith.constant 1 : i32
      %dma_start3A_170 = arith.constant 0 : i32
      %dma_start3A_171 = arith.constant 0 : i32
      %dma_start3A_172 = tpu.memref_slice %arg6[%dma_start3A_169, %dma_start3A_170, %dma_start3A_171] : memref<4x128x64xf32, #tpu.memory_space<vmem>> -> memref<1x128x64xf32, #tpu.memory_space<vmem>>
      %dma_start3A_173 = tpu.memref_squeeze %dma_start3A_172 : memref<1x128x64xf32, #tpu.memory_space<vmem>> -> memref<128x64xf32, #tpu.memory_space<vmem>>
      %dma_start3A_174 = arith.constant 0 : i32
      %dma_start3A_175 = tpu.memref_slice %arg5[%add3A_168, %dma_start3A_174] : memref<100x128xi32, #tpu.memory_space<vmem>> -> memref<1x128xi32, #tpu.memory_space<vmem>>
      %dma_start3A_176 = tpu.memref_squeeze %dma_start3A_175 : memref<1x128xi32, #tpu.memory_space<vmem>> -> memref<128xi32, #tpu.memory_space<vmem>>
      %dma_start3A_177 = arith.constant 0 : i32
      %dma_start3A_178 = arith.constant 0 : i32
      %dma_start3A_179 = tpu.memref_slice %arg2[%dma_start3A_177, %dma_start3A_178] : memref<100000x64xf32, #tpu.memory_space<hbm>> -> memref<100000x64xf32, #tpu.memory_space<hbm>>
      tpu.enqueue_indirect_dma source(%dma_start3A_179 : memref<100000x64xf32, #tpu.memory_space<hbm>>) target(%dma_start3A_173 : memref<128x64xf32, #tpu.memory_space<vmem>>) offsets(%dma_start3A_176 : memref<128xi32, #tpu.memory_space<vmem>>) semaphore(%arg8 : memref<!tpu.dma_semaphore, #tpu.memory_space<semaphore_mem>>)
      %mul3A_180 = arith.constant 4 : i32
      %mul3A_181 = arith.muli %mul3A_180, %scan3A_114 : i32
      %add3A_182 = arith.constant 2 : i32
      %add3A_183 = arith.addi %mul3A_181, %add3A_182 : i32
      %dma_wait3A_184 = arith.constant 2 : i32
      %dma_wait3A_185 = arith.constant 0 : i32
      %dma_wait3A_186 = arith.constant 0 : i32
      %dma_wait3A_187 = tpu.memref_slice %arg6[%dma_wait3A_184, %dma_wait3A_185, %dma_wait3A_186] : memref<4x128x64xf32, #tpu.memory_space<vmem>> -> memref<1x128x64xf32, #tpu.memory_space<vmem>>
      %dma_wait3A_188 = tpu.memref_squeeze %dma_wait3A_187 : memref<1x128x64xf32, #tpu.memory_space<vmem>> -> memref<128x64xf32, #tpu.memory_space<vmem>>
      %dma_wait3A_189 = arith.constant 0 : i32
      %dma_wait3A_190 = tpu.memref_slice %arg5[%add3A_183, %dma_wait3A_189] : memref<100x128xi32, #tpu.memory_space<vmem>> -> memref<1x128xi32, #tpu.memory_space<vmem>>
      %dma_wait3A_191 = tpu.memref_squeeze %dma_wait3A_190 : memref<1x128xi32, #tpu.memory_space<vmem>> -> memref<128xi32, #tpu.memory_space<vmem>>
      %dma_wait3A_192 = arith.constant 0 : i32
      %dma_wait3A_193 = arith.constant 0 : i32
      %dma_wait3A_194 = tpu.memref_slice %arg2[%dma_wait3A_192, %dma_wait3A_193] : memref<100000x64xf32, #tpu.memory_space<hbm>> -> memref<100000x64xf32, #tpu.memory_space<hbm>>
      tpu.wait_indirect_dma semaphore(%arg9 : memref<!tpu.dma_semaphore, #tpu.memory_space<semaphore_mem>>) src(%dma_wait3A_194 : memref<100000x64xf32, #tpu.memory_space<hbm>>) dst(%dma_wait3A_188 : memref<128x64xf32, #tpu.memory_space<vmem>>)
      %mul3A_195 = arith.constant 128 : i32
      %mul3A_196 = arith.muli %add3A_183, %mul3A_195 : i32
      %add3A_197 = arith.addi %mul3A_2, %mul3A_196 : i32
      %run_scoped3A_198 = arith.constant 2 : i32
      "tpu.region"() ({
        %run_scoped3A_245 = tpu.sem_alloc : memref<!tpu.dma_semaphore, #tpu.memory_space<semaphore_mem>>
        %dma_start3A_246 = arith.constant 0 : i32
        %dma_start3A_247 = arith.constant 0 : i32
        %dma_start3A_248 = tpu.memref_slice %arg6[%run_scoped3A_198, %dma_start3A_246, %dma_start3A_247] : memref<4x128x64xf32, #tpu.memory_space<vmem>> -> memref<1x128x64xf32, #tpu.memory_space<vmem>>
        %dma_start3A_249 = tpu.memref_squeeze %dma_start3A_248 : memref<1x128x64xf32, #tpu.memory_space<vmem>> -> memref<128x64xf32, #tpu.memory_space<vmem>>
        %dma_start3A_250 = arith.constant 0 : i32
        %dma_start3A_251 = tpu.memref_slice %arg4[%add3A_197, %dma_start3A_250] : memref<409600x64xf32, #tpu.memory_space<hbm>> -> memref<128x64xf32, #tpu.memory_space<hbm>>
        %dma_start3A_252 = arith.constant 0 : i32
        %dma_start3A_253 = tpu.memref_slice %arg4[%add3A_197, %dma_start3A_252] : memref<409600x64xf32, #tpu.memory_space<hbm>> -> memref<128x64xf32, #tpu.memory_space<hbm>>
        %dma_start3A_254 = arith.constant 0 : i32
        %dma_start3A_255 = arith.constant 0 : i32
        %dma_start3A_256 = tpu.memref_slice %arg6[%run_scoped3A_198, %dma_start3A_254, %dma_start3A_255] : memref<4x128x64xf32, #tpu.memory_space<vmem>> -> memref<1x128x64xf32, #tpu.memory_space<vmem>>
        %dma_start3A_257 = tpu.memref_squeeze %dma_start3A_256 : memref<1x128x64xf32, #tpu.memory_space<vmem>> -> memref<128x64xf32, #tpu.memory_space<vmem>>
        tpu.enqueue_dma source(%dma_start3A_257 : memref<128x64xf32, #tpu.memory_space<vmem>>) target(%dma_start3A_253 : memref<128x64xf32, #tpu.memory_space<hbm>>) target_semaphore(%run_scoped3A_245 : memref<!tpu.dma_semaphore, #tpu.memory_space<semaphore_mem>>)
        %dma_wait3A_258 = arith.constant 0 : i32
        %dma_wait3A_259 = arith.constant 0 : i32
        %dma_wait3A_260 = tpu.memref_slice %arg6[%run_scoped3A_198, %dma_wait3A_258, %dma_wait3A_259] : memref<4x128x64xf32, #tpu.memory_space<vmem>> -> memref<1x128x64xf32, #tpu.memory_space<vmem>>
        %dma_wait3A_261 = tpu.memref_squeeze %dma_wait3A_260 : memref<1x128x64xf32, #tpu.memory_space<vmem>> -> memref<128x64xf32, #tpu.memory_space<vmem>>
        %dma_wait3A_262 = arith.constant 0 : i32
        %dma_wait3A_263 = tpu.memref_slice %arg4[%add3A_197, %dma_wait3A_262] : memref<409600x64xf32, #tpu.memory_space<hbm>> -> memref<128x64xf32, #tpu.memory_space<hbm>>
        %dma_wait3A_264 = arith.constant 0 : i32
        %dma_wait3A_265 = tpu.memref_slice %arg4[%add3A_197, %dma_wait3A_264] : memref<409600x64xf32, #tpu.memory_space<hbm>> -> memref<128x64xf32, #tpu.memory_space<hbm>>
        %dma_wait3A_266 = arith.constant 0 : i32
        %dma_wait3A_267 = arith.constant 0 : i32
        %dma_wait3A_268 = tpu.memref_slice %arg6[%run_scoped3A_198, %dma_wait3A_266, %dma_wait3A_267] : memref<4x128x64xf32, #tpu.memory_space<vmem>> -> memref<1x128x64xf32, #tpu.memory_space<vmem>>
        %dma_wait3A_269 = tpu.memref_squeeze %dma_wait3A_268 : memref<1x128x64xf32, #tpu.memory_space<vmem>> -> memref<128x64xf32, #tpu.memory_space<vmem>>
        tpu.wait_dma2 semaphore(%run_scoped3A_245 : memref<!tpu.dma_semaphore, #tpu.memory_space<semaphore_mem>>) src(%dma_wait3A_269 : memref<128x64xf32, #tpu.memory_space<vmem>>) dst(%dma_wait3A_265 : memref<128x64xf32, #tpu.memory_space<hbm>>)
        tpu.yield
      }) : () -> ()
      %add3A_199 = arith.constant 4 : i32
      %add3A_200 = arith.addi %add3A_183, %add3A_199 : i32
      %dma_start3A_201 = arith.constant 2 : i32
      %dma_start3A_202 = arith.constant 0 : i32
      %dma_start3A_203 = arith.constant 0 : i32
      %dma_start3A_204 = tpu.memref_slice %arg6[%dma_start3A_201, %dma_start3A_202, %dma_start3A_203] : memref<4x128x64xf32, #tpu.memory_space<vmem>> -> memref<1x128x64xf32, #tpu.memory_space<vmem>>
      %dma_start3A_205 = tpu.memref_squeeze %dma_start3A_204 : memref<1x128x64xf32, #tpu.memory_space<vmem>> -> memref<128x64xf32, #tpu.memory_space<vmem>>
      %dma_start3A_206 = arith.constant 0 : i32
      %dma_start3A_207 = tpu.memref_slice %arg5[%add3A_200, %dma_start3A_206] : memref<100x128xi32, #tpu.memory_space<vmem>> -> memref<1x128xi32, #tpu.memory_space<vmem>>
      %dma_start3A_208 = tpu.memref_squeeze %dma_start3A_207 : memref<1x128xi32, #tpu.memory_space<vmem>> -> memref<128xi32, #tpu.memory_space<vmem>>
      %dma_start3A_209 = arith.constant 0 : i32
      %dma_start3A_210 = arith.constant 0 : i32
      %dma_start3A_211 = tpu.memref_slice %arg2[%dma_start3A_209, %dma_start3A_210] : memref<100000x64xf32, #tpu.memory_space<hbm>> -> memref<100000x64xf32, #tpu.memory_space<hbm>>
      tpu.enqueue_indirect_dma source(%dma_start3A_211 : memref<100000x64xf32, #tpu.memory_space<hbm>>) target(%dma_start3A_205 : memref<128x64xf32, #tpu.memory_space<vmem>>) offsets(%dma_start3A_208 : memref<128xi32, #tpu.memory_space<vmem>>) semaphore(%arg9 : memref<!tpu.dma_semaphore, #tpu.memory_space<semaphore_mem>>)
      %mul3A_212 = arith.constant 4 : i32
      %mul3A_213 = arith.muli %mul3A_212, %scan3A_114 : i32
      %add3A_214 = arith.constant 3 : i32
      %add3A_215 = arith.addi %mul3A_213, %add3A_214 : i32
      %dma_wait3A_216 = arith.constant 3 : i32
      %dma_wait3A_217 = arith.constant 0 : i32
      %dma_wait3A_218 = arith.constant 0 : i32
      %dma_wait3A_219 = tpu.memref_slice %arg6[%dma_wait3A_216, %dma_wait3A_217, %dma_wait3A_218] : memref<4x128x64xf32, #tpu.memory_space<vmem>> -> memref<1x128x64xf32, #tpu.memory_space<vmem>>
      %dma_wait3A_220 = tpu.memref_squeeze %dma_wait3A_219 : memref<1x128x64xf32, #tpu.memory_space<vmem>> -> memref<128x64xf32, #tpu.memory_space<vmem>>
      %dma_wait3A_221 = arith.constant 0 : i32
      %dma_wait3A_222 = tpu.memref_slice %arg5[%add3A_215, %dma_wait3A_221] : memref<100x128xi32, #tpu.memory_space<vmem>> -> memref<1x128xi32, #tpu.memory_space<vmem>>
      %dma_wait3A_223 = tpu.memref_squeeze %dma_wait3A_222 : memref<1x128xi32, #tpu.memory_space<vmem>> -> memref<128xi32, #tpu.memory_space<vmem>>
      %dma_wait3A_224 = arith.constant 0 : i32
      %dma_wait3A_225 = arith.constant 0 : i32
      %dma_wait3A_226 = tpu.memref_slice %arg2[%dma_wait3A_224, %dma_wait3A_225] : memref<100000x64xf32, #tpu.memory_space<hbm>> -> memref<100000x64xf32, #tpu.memory_space<hbm>>
      tpu.wait_indirect_dma semaphore(%arg10 : memref<!tpu.dma_semaphore, #tpu.memory_space<semaphore_mem>>) src(%dma_wait3A_226 : memref<100000x64xf32, #tpu.memory_space<hbm>>) dst(%dma_wait3A_220 : memref<128x64xf32, #tpu.memory_space<vmem>>)
      %mul3A_227 = arith.constant 128 : i32
      %mul3A_228 = arith.muli %add3A_215, %mul3A_227 : i32
      %add3A_229 = arith.addi %mul3A_2, %mul3A_228 : i32
      %run_scoped3A_230 = arith.constant 3 : i32
      "tpu.region"() ({
        %run_scoped3A_245 = tpu.sem_alloc : memref<!tpu.dma_semaphore, #tpu.memory_space<semaphore_mem>>
        %dma_start3A_246 = arith.constant 0 : i32
        %dma_start3A_247 = arith.constant 0 : i32
        %dma_start3A_248 = tpu.memref_slice %arg6[%run_scoped3A_230, %dma_start3A_246, %dma_start3A_247] : memref<4x128x64xf32, #tpu.memory_space<vmem>> -> memref<1x128x64xf32, #tpu.memory_space<vmem>>
        %dma_start3A_249 = tpu.memref_squeeze %dma_start3A_248 : memref<1x128x64xf32, #tpu.memory_space<vmem>> -> memref<128x64xf32, #tpu.memory_space<vmem>>
        %dma_start3A_250 = arith.constant 0 : i32
        %dma_start3A_251 = tpu.memref_slice %arg4[%add3A_229, %dma_start3A_250] : memref<409600x64xf32, #tpu.memory_space<hbm>> -> memref<128x64xf32, #tpu.memory_space<hbm>>
        %dma_start3A_252 = arith.constant 0 : i32
        %dma_start3A_253 = tpu.memref_slice %arg4[%add3A_229, %dma_start3A_252] : memref<409600x64xf32, #tpu.memory_space<hbm>> -> memref<128x64xf32, #tpu.memory_space<hbm>>
        %dma_start3A_254 = arith.constant 0 : i32
        %dma_start3A_255 = arith.constant 0 : i32
        %dma_start3A_256 = tpu.memref_slice %arg6[%run_scoped3A_230, %dma_start3A_254, %dma_start3A_255] : memref<4x128x64xf32, #tpu.memory_space<vmem>> -> memref<1x128x64xf32, #tpu.memory_space<vmem>>
        %dma_start3A_257 = tpu.memref_squeeze %dma_start3A_256 : memref<1x128x64xf32, #tpu.memory_space<vmem>> -> memref<128x64xf32, #tpu.memory_space<vmem>>
        tpu.enqueue_dma source(%dma_start3A_257 : memref<128x64xf32, #tpu.memory_space<vmem>>) target(%dma_start3A_253 : memref<128x64xf32, #tpu.memory_space<hbm>>) target_semaphore(%run_scoped3A_245 : memref<!tpu.dma_semaphore, #tpu.memory_space<semaphore_mem>>)
        %dma_wait3A_258 = arith.constant 0 : i32
        %dma_wait3A_259 = arith.constant 0 : i32
        %dma_wait3A_260 = tpu.memref_slice %arg6[%run_scoped3A_230, %dma_wait3A_258, %dma_wait3A_259] : memref<4x128x64xf32, #tpu.memory_space<vmem>> -> memref<1x128x64xf32, #tpu.memory_space<vmem>>
        %dma_wait3A_261 = tpu.memref_squeeze %dma_wait3A_260 : memref<1x128x64xf32, #tpu.memory_space<vmem>> -> memref<128x64xf32, #tpu.memory_space<vmem>>
        %dma_wait3A_262 = arith.constant 0 : i32
        %dma_wait3A_263 = tpu.memref_slice %arg4[%add3A_229, %dma_wait3A_262] : memref<409600x64xf32, #tpu.memory_space<hbm>> -> memref<128x64xf32, #tpu.memory_space<hbm>>
        %dma_wait3A_264 = arith.constant 0 : i32
        %dma_wait3A_265 = tpu.memref_slice %arg4[%add3A_229, %dma_wait3A_264] : memref<409600x64xf32, #tpu.memory_space<hbm>> -> memref<128x64xf32, #tpu.memory_space<hbm>>
        %dma_wait3A_266 = arith.constant 0 : i32
        %dma_wait3A_267 = arith.constant 0 : i32
        %dma_wait3A_268 = tpu.memref_slice %arg6[%run_scoped3A_230, %dma_wait3A_266, %dma_wait3A_267] : memref<4x128x64xf32, #tpu.memory_space<vmem>> -> memref<1x128x64xf32, #tpu.memory_space<vmem>>
        %dma_wait3A_269 = tpu.memref_squeeze %dma_wait3A_268 : memref<1x128x64xf32, #tpu.memory_space<vmem>> -> memref<128x64xf32, #tpu.memory_space<vmem>>
        tpu.wait_dma2 semaphore(%run_scoped3A_245 : memref<!tpu.dma_semaphore, #tpu.memory_space<semaphore_mem>>) src(%dma_wait3A_269 : memref<128x64xf32, #tpu.memory_space<vmem>>) dst(%dma_wait3A_265 : memref<128x64xf32, #tpu.memory_space<hbm>>)
        tpu.yield
      }) : () -> ()
      %add3A_231 = arith.constant 4 : i32
      %add3A_232 = arith.addi %add3A_215, %add3A_231 : i32
      %dma_start3A_233 = arith.constant 3 : i32
      %dma_start3A_234 = arith.constant 0 : i32
      %dma_start3A_235 = arith.constant 0 : i32
      %dma_start3A_236 = tpu.memref_slice %arg6[%dma_start3A_233, %dma_start3A_234, %dma_start3A_235] : memref<4x128x64xf32, #tpu.memory_space<vmem>> -> memref<1x128x64xf32, #tpu.memory_space<vmem>>
      %dma_start3A_237 = tpu.memref_squeeze %dma_start3A_236 : memref<1x128x64xf32, #tpu.memory_space<vmem>> -> memref<128x64xf32, #tpu.memory_space<vmem>>
      %dma_start3A_238 = arith.constant 0 : i32
      %dma_start3A_239 = tpu.memref_slice %arg5[%add3A_232, %dma_start3A_238] : memref<100x128xi32, #tpu.memory_space<vmem>> -> memref<1x128xi32, #tpu.memory_space<vmem>>
      %dma_start3A_240 = tpu.memref_squeeze %dma_start3A_239 : memref<1x128xi32, #tpu.memory_space<vmem>> -> memref<128xi32, #tpu.memory_space<vmem>>
      %dma_start3A_241 = arith.constant 0 : i32
      %dma_start3A_242 = arith.constant 0 : i32
      %dma_start3A_243 = tpu.memref_slice %arg2[%dma_start3A_241, %dma_start3A_242] : memref<100000x64xf32, #tpu.memory_space<hbm>> -> memref<100000x64xf32, #tpu.memory_space<hbm>>
      tpu.enqueue_indirect_dma source(%dma_start3A_243 : memref<100000x64xf32, #tpu.memory_space<hbm>>) target(%dma_start3A_237 : memref<128x64xf32, #tpu.memory_space<vmem>>) offsets(%dma_start3A_240 : memref<128xi32, #tpu.memory_space<vmem>>) semaphore(%arg10 : memref<!tpu.dma_semaphore, #tpu.memory_space<semaphore_mem>>)
      %scan3A_244 = arith.constant 0 : i32
      scf.yield %scan3A_244 : i32
    }
    %scan3A_55 = arith.constant 24 : i32
    %dma_wait3A = arith.constant 96 : i32
    %dma_wait3A_56 = arith.constant 0 : i32
    %dma_wait3A_57 = arith.constant 0 : i32
    %dma_wait3A_58 = arith.constant 0 : i32
    %dma_wait3A_59 = tpu.memref_slice %arg6[%dma_wait3A_56, %dma_wait3A_57, %dma_wait3A_58] : memref<4x128x64xf32, #tpu.memory_space<vmem>> -> memref<1x128x64xf32, #tpu.memory_space<vmem>>
    %dma_wait3A_60 = tpu.memref_squeeze %dma_wait3A_59 : memref<1x128x64xf32, #tpu.memory_space<vmem>> -> memref<128x64xf32, #tpu.memory_space<vmem>>
    %dma_wait3A_61 = arith.constant 0 : i32
    %dma_wait3A_62 = tpu.memref_slice %arg5[%dma_wait3A, %dma_wait3A_61] : memref<100x128xi32, #tpu.memory_space<vmem>> -> memref<1x128xi32, #tpu.memory_space<vmem>>
    %dma_wait3A_63 = tpu.memref_squeeze %dma_wait3A_62 : memref<1x128xi32, #tpu.memory_space<vmem>> -> memref<128xi32, #tpu.memory_space<vmem>>
    %dma_wait3A_64 = arith.constant 0 : i32
    %dma_wait3A_65 = arith.constant 0 : i32
    %dma_wait3A_66 = tpu.memref_slice %arg2[%dma_wait3A_64, %dma_wait3A_65] : memref<100000x64xf32, #tpu.memory_space<hbm>> -> memref<100000x64xf32, #tpu.memory_space<hbm>>
    tpu.wait_indirect_dma semaphore(%arg7 : memref<!tpu.dma_semaphore, #tpu.memory_space<semaphore_mem>>) src(%dma_wait3A_66 : memref<100000x64xf32, #tpu.memory_space<hbm>>) dst(%dma_wait3A_60 : memref<128x64xf32, #tpu.memory_space<vmem>>)
    %add3A_67 = arith.constant 12288 : i32
    %add3A_68 = arith.addi %mul3A_2, %add3A_67 : i32
    %run_scoped3A = arith.constant 0 : i32
    "tpu.region"() ({
      %run_scoped3A_114 = tpu.sem_alloc : memref<!tpu.dma_semaphore, #tpu.memory_space<semaphore_mem>>
      %dma_start3A_115 = arith.constant 0 : i32
      %dma_start3A_116 = arith.constant 0 : i32
      %dma_start3A_117 = tpu.memref_slice %arg6[%run_scoped3A, %dma_start3A_115, %dma_start3A_116] : memref<4x128x64xf32, #tpu.memory_space<vmem>> -> memref<1x128x64xf32, #tpu.memory_space<vmem>>
      %dma_start3A_118 = tpu.memref_squeeze %dma_start3A_117 : memref<1x128x64xf32, #tpu.memory_space<vmem>> -> memref<128x64xf32, #tpu.memory_space<vmem>>
      %dma_start3A_119 = arith.constant 0 : i32
      %dma_start3A_120 = tpu.memref_slice %arg4[%add3A_68, %dma_start3A_119] : memref<409600x64xf32, #tpu.memory_space<hbm>> -> memref<128x64xf32, #tpu.memory_space<hbm>>
      %dma_start3A_121 = arith.constant 0 : i32
      %dma_start3A_122 = tpu.memref_slice %arg4[%add3A_68, %dma_start3A_121] : memref<409600x64xf32, #tpu.memory_space<hbm>> -> memref<128x64xf32, #tpu.memory_space<hbm>>
      %dma_start3A_123 = arith.constant 0 : i32
      %dma_start3A_124 = arith.constant 0 : i32
      %dma_start3A_125 = tpu.memref_slice %arg6[%run_scoped3A, %dma_start3A_123, %dma_start3A_124] : memref<4x128x64xf32, #tpu.memory_space<vmem>> -> memref<1x128x64xf32, #tpu.memory_space<vmem>>
      %dma_start3A_126 = tpu.memref_squeeze %dma_start3A_125 : memref<1x128x64xf32, #tpu.memory_space<vmem>> -> memref<128x64xf32, #tpu.memory_space<vmem>>
      tpu.enqueue_dma source(%dma_start3A_126 : memref<128x64xf32, #tpu.memory_space<vmem>>) target(%dma_start3A_122 : memref<128x64xf32, #tpu.memory_space<hbm>>) target_semaphore(%run_scoped3A_114 : memref<!tpu.dma_semaphore, #tpu.memory_space<semaphore_mem>>)
      %dma_wait3A_127 = arith.constant 0 : i32
      %dma_wait3A_128 = arith.constant 0 : i32
      %dma_wait3A_129 = tpu.memref_slice %arg6[%run_scoped3A, %dma_wait3A_127, %dma_wait3A_128] : memref<4x128x64xf32, #tpu.memory_space<vmem>> -> memref<1x128x64xf32, #tpu.memory_space<vmem>>
      %dma_wait3A_130 = tpu.memref_squeeze %dma_wait3A_129 : memref<1x128x64xf32, #tpu.memory_space<vmem>> -> memref<128x64xf32, #tpu.memory_space<vmem>>
      %dma_wait3A_131 = arith.constant 0 : i32
      %dma_wait3A_132 = tpu.memref_slice %arg4[%add3A_68, %dma_wait3A_131] : memref<409600x64xf32, #tpu.memory_space<hbm>> -> memref<128x64xf32, #tpu.memory_space<hbm>>
      %dma_wait3A_133 = arith.constant 0 : i32
      %dma_wait3A_134 = tpu.memref_slice %arg4[%add3A_68, %dma_wait3A_133] : memref<409600x64xf32, #tpu.memory_space<hbm>> -> memref<128x64xf32, #tpu.memory_space<hbm>>
      %dma_wait3A_135 = arith.constant 0 : i32
      %dma_wait3A_136 = arith.constant 0 : i32
      %dma_wait3A_137 = tpu.memref_slice %arg6[%run_scoped3A, %dma_wait3A_135, %dma_wait3A_136] : memref<4x128x64xf32, #tpu.memory_space<vmem>> -> memref<1x128x64xf32, #tpu.memory_space<vmem>>
      %dma_wait3A_138 = tpu.memref_squeeze %dma_wait3A_137 : memref<1x128x64xf32, #tpu.memory_space<vmem>> -> memref<128x64xf32, #tpu.memory_space<vmem>>
      tpu.wait_dma2 semaphore(%run_scoped3A_114 : memref<!tpu.dma_semaphore, #tpu.memory_space<semaphore_mem>>) src(%dma_wait3A_138 : memref<128x64xf32, #tpu.memory_space<vmem>>) dst(%dma_wait3A_134 : memref<128x64xf32, #tpu.memory_space<hbm>>)
      tpu.yield
    }) : () -> ()
    %dma_wait3A_69 = arith.constant 97 : i32
    %dma_wait3A_70 = arith.constant 1 : i32
    %dma_wait3A_71 = arith.constant 0 : i32
    %dma_wait3A_72 = arith.constant 0 : i32
    %dma_wait3A_73 = tpu.memref_slice %arg6[%dma_wait3A_70, %dma_wait3A_71, %dma_wait3A_72] : memref<4x128x64xf32, #tpu.memory_space<vmem>> -> memref<1x128x64xf32, #tpu.memory_space<vmem>>
    %dma_wait3A_74 = tpu.memref_squeeze %dma_wait3A_73 : memref<1x128x64xf32, #tpu.memory_space<vmem>> -> memref<128x64xf32, #tpu.memory_space<vmem>>
    %dma_wait3A_75 = arith.constant 0 : i32
    %dma_wait3A_76 = tpu.memref_slice %arg5[%dma_wait3A_69, %dma_wait3A_75] : memref<100x128xi32, #tpu.memory_space<vmem>> -> memref<1x128xi32, #tpu.memory_space<vmem>>
    %dma_wait3A_77 = tpu.memref_squeeze %dma_wait3A_76 : memref<1x128xi32, #tpu.memory_space<vmem>> -> memref<128xi32, #tpu.memory_space<vmem>>
    %dma_wait3A_78 = arith.constant 0 : i32
    %dma_wait3A_79 = arith.constant 0 : i32
    %dma_wait3A_80 = tpu.memref_slice %arg2[%dma_wait3A_78, %dma_wait3A_79] : memref<100000x64xf32, #tpu.memory_space<hbm>> -> memref<100000x64xf32, #tpu.memory_space<hbm>>
    tpu.wait_indirect_dma semaphore(%arg8 : memref<!tpu.dma_semaphore, #tpu.memory_space<semaphore_mem>>) src(%dma_wait3A_80 : memref<100000x64xf32, #tpu.memory_space<hbm>>) dst(%dma_wait3A_74 : memref<128x64xf32, #tpu.memory_space<vmem>>)
    %add3A_81 = arith.constant 12416 : i32
    %add3A_82 = arith.addi %mul3A_2, %add3A_81 : i32
    %run_scoped3A_83 = arith.constant 1 : i32
    "tpu.region"() ({
      %run_scoped3A_114 = tpu.sem_alloc : memref<!tpu.dma_semaphore, #tpu.memory_space<semaphore_mem>>
      %dma_start3A_115 = arith.constant 0 : i32
      %dma_start3A_116 = arith.constant 0 : i32
      %dma_start3A_117 = tpu.memref_slice %arg6[%run_scoped3A_83, %dma_start3A_115, %dma_start3A_116] : memref<4x128x64xf32, #tpu.memory_space<vmem>> -> memref<1x128x64xf32, #tpu.memory_space<vmem>>
      %dma_start3A_118 = tpu.memref_squeeze %dma_start3A_117 : memref<1x128x64xf32, #tpu.memory_space<vmem>> -> memref<128x64xf32, #tpu.memory_space<vmem>>
      %dma_start3A_119 = arith.constant 0 : i32
      %dma_start3A_120 = tpu.memref_slice %arg4[%add3A_82, %dma_start3A_119] : memref<409600x64xf32, #tpu.memory_space<hbm>> -> memref<128x64xf32, #tpu.memory_space<hbm>>
      %dma_start3A_121 = arith.constant 0 : i32
      %dma_start3A_122 = tpu.memref_slice %arg4[%add3A_82, %dma_start3A_121] : memref<409600x64xf32, #tpu.memory_space<hbm>> -> memref<128x64xf32, #tpu.memory_space<hbm>>
      %dma_start3A_123 = arith.constant 0 : i32
      %dma_start3A_124 = arith.constant 0 : i32
      %dma_start3A_125 = tpu.memref_slice %arg6[%run_scoped3A_83, %dma_start3A_123, %dma_start3A_124] : memref<4x128x64xf32, #tpu.memory_space<vmem>> -> memref<1x128x64xf32, #tpu.memory_space<vmem>>
      %dma_start3A_126 = tpu.memref_squeeze %dma_start3A_125 : memref<1x128x64xf32, #tpu.memory_space<vmem>> -> memref<128x64xf32, #tpu.memory_space<vmem>>
      tpu.enqueue_dma source(%dma_start3A_126 : memref<128x64xf32, #tpu.memory_space<vmem>>) target(%dma_start3A_122 : memref<128x64xf32, #tpu.memory_space<hbm>>) target_semaphore(%run_scoped3A_114 : memref<!tpu.dma_semaphore, #tpu.memory_space<semaphore_mem>>)
      %dma_wait3A_127 = arith.constant 0 : i32
      %dma_wait3A_128 = arith.constant 0 : i32
      %dma_wait3A_129 = tpu.memref_slice %arg6[%run_scoped3A_83, %dma_wait3A_127, %dma_wait3A_128] : memref<4x128x64xf32, #tpu.memory_space<vmem>> -> memref<1x128x64xf32, #tpu.memory_space<vmem>>
      %dma_wait3A_130 = tpu.memref_squeeze %dma_wait3A_129 : memref<1x128x64xf32, #tpu.memory_space<vmem>> -> memref<128x64xf32, #tpu.memory_space<vmem>>
      %dma_wait3A_131 = arith.constant 0 : i32
      %dma_wait3A_132 = tpu.memref_slice %arg4[%add3A_82, %dma_wait3A_131] : memref<409600x64xf32, #tpu.memory_space<hbm>> -> memref<128x64xf32, #tpu.memory_space<hbm>>
      %dma_wait3A_133 = arith.constant 0 : i32
      %dma_wait3A_134 = tpu.memref_slice %arg4[%add3A_82, %dma_wait3A_133] : memref<409600x64xf32, #tpu.memory_space<hbm>> -> memref<128x64xf32, #tpu.memory_space<hbm>>
      %dma_wait3A_135 = arith.constant 0 : i32
      %dma_wait3A_136 = arith.constant 0 : i32
      %dma_wait3A_137 = tpu.memref_slice %arg6[%run_scoped3A_83, %dma_wait3A_135, %dma_wait3A_136] : memref<4x128x64xf32, #tpu.memory_space<vmem>> -> memref<1x128x64xf32, #tpu.memory_space<vmem>>
      %dma_wait3A_138 = tpu.memref_squeeze %dma_wait3A_137 : memref<1x128x64xf32, #tpu.memory_space<vmem>> -> memref<128x64xf32, #tpu.memory_space<vmem>>
      tpu.wait_dma2 semaphore(%run_scoped3A_114 : memref<!tpu.dma_semaphore, #tpu.memory_space<semaphore_mem>>) src(%dma_wait3A_138 : memref<128x64xf32, #tpu.memory_space<vmem>>) dst(%dma_wait3A_134 : memref<128x64xf32, #tpu.memory_space<hbm>>)
      tpu.yield
    }) : () -> ()
    %dma_wait3A_84 = arith.constant 98 : i32
    %dma_wait3A_85 = arith.constant 2 : i32
    %dma_wait3A_86 = arith.constant 0 : i32
    %dma_wait3A_87 = arith.constant 0 : i32
    %dma_wait3A_88 = tpu.memref_slice %arg6[%dma_wait3A_85, %dma_wait3A_86, %dma_wait3A_87] : memref<4x128x64xf32, #tpu.memory_space<vmem>> -> memref<1x128x64xf32, #tpu.memory_space<vmem>>
    %dma_wait3A_89 = tpu.memref_squeeze %dma_wait3A_88 : memref<1x128x64xf32, #tpu.memory_space<vmem>> -> memref<128x64xf32, #tpu.memory_space<vmem>>
    %dma_wait3A_90 = arith.constant 0 : i32
    %dma_wait3A_91 = tpu.memref_slice %arg5[%dma_wait3A_84, %dma_wait3A_90] : memref<100x128xi32, #tpu.memory_space<vmem>> -> memref<1x128xi32, #tpu.memory_space<vmem>>
    %dma_wait3A_92 = tpu.memref_squeeze %dma_wait3A_91 : memref<1x128xi32, #tpu.memory_space<vmem>> -> memref<128xi32, #tpu.memory_space<vmem>>
    %dma_wait3A_93 = arith.constant 0 : i32
    %dma_wait3A_94 = arith.constant 0 : i32
    %dma_wait3A_95 = tpu.memref_slice %arg2[%dma_wait3A_93, %dma_wait3A_94] : memref<100000x64xf32, #tpu.memory_space<hbm>> -> memref<100000x64xf32, #tpu.memory_space<hbm>>
    tpu.wait_indirect_dma semaphore(%arg9 : memref<!tpu.dma_semaphore, #tpu.memory_space<semaphore_mem>>) src(%dma_wait3A_95 : memref<100000x64xf32, #tpu.memory_space<hbm>>) dst(%dma_wait3A_89 : memref<128x64xf32, #tpu.memory_space<vmem>>)
    %add3A_96 = arith.constant 12544 : i32
    %add3A_97 = arith.addi %mul3A_2, %add3A_96 : i32
    %run_scoped3A_98 = arith.constant 2 : i32
    "tpu.region"() ({
      %run_scoped3A_114 = tpu.sem_alloc : memref<!tpu.dma_semaphore, #tpu.memory_space<semaphore_mem>>
      %dma_start3A_115 = arith.constant 0 : i32
      %dma_start3A_116 = arith.constant 0 : i32
      %dma_start3A_117 = tpu.memref_slice %arg6[%run_scoped3A_98, %dma_start3A_115, %dma_start3A_116] : memref<4x128x64xf32, #tpu.memory_space<vmem>> -> memref<1x128x64xf32, #tpu.memory_space<vmem>>
      %dma_start3A_118 = tpu.memref_squeeze %dma_start3A_117 : memref<1x128x64xf32, #tpu.memory_space<vmem>> -> memref<128x64xf32, #tpu.memory_space<vmem>>
      %dma_start3A_119 = arith.constant 0 : i32
      %dma_start3A_120 = tpu.memref_slice %arg4[%add3A_97, %dma_start3A_119] : memref<409600x64xf32, #tpu.memory_space<hbm>> -> memref<128x64xf32, #tpu.memory_space<hbm>>
      %dma_start3A_121 = arith.constant 0 : i32
      %dma_start3A_122 = tpu.memref_slice %arg4[%add3A_97, %dma_start3A_121] : memref<409600x64xf32, #tpu.memory_space<hbm>> -> memref<128x64xf32, #tpu.memory_space<hbm>>
      %dma_start3A_123 = arith.constant 0 : i32
      %dma_start3A_124 = arith.constant 0 : i32
      %dma_start3A_125 = tpu.memref_slice %arg6[%run_scoped3A_98, %dma_start3A_123, %dma_start3A_124] : memref<4x128x64xf32, #tpu.memory_space<vmem>> -> memref<1x128x64xf32, #tpu.memory_space<vmem>>
      %dma_start3A_126 = tpu.memref_squeeze %dma_start3A_125 : memref<1x128x64xf32, #tpu.memory_space<vmem>> -> memref<128x64xf32, #tpu.memory_space<vmem>>
      tpu.enqueue_dma source(%dma_start3A_126 : memref<128x64xf32, #tpu.memory_space<vmem>>) target(%dma_start3A_122 : memref<128x64xf32, #tpu.memory_space<hbm>>) target_semaphore(%run_scoped3A_114 : memref<!tpu.dma_semaphore, #tpu.memory_space<semaphore_mem>>)
      %dma_wait3A_127 = arith.constant 0 : i32
      %dma_wait3A_128 = arith.constant 0 : i32
      %dma_wait3A_129 = tpu.memref_slice %arg6[%run_scoped3A_98, %dma_wait3A_127, %dma_wait3A_128] : memref<4x128x64xf32, #tpu.memory_space<vmem>> -> memref<1x128x64xf32, #tpu.memory_space<vmem>>
      %dma_wait3A_130 = tpu.memref_squeeze %dma_wait3A_129 : memref<1x128x64xf32, #tpu.memory_space<vmem>> -> memref<128x64xf32, #tpu.memory_space<vmem>>
      %dma_wait3A_131 = arith.constant 0 : i32
      %dma_wait3A_132 = tpu.memref_slice %arg4[%add3A_97, %dma_wait3A_131] : memref<409600x64xf32, #tpu.memory_space<hbm>> -> memref<128x64xf32, #tpu.memory_space<hbm>>
      %dma_wait3A_133 = arith.constant 0 : i32
      %dma_wait3A_134 = tpu.memref_slice %arg4[%add3A_97, %dma_wait3A_133] : memref<409600x64xf32, #tpu.memory_space<hbm>> -> memref<128x64xf32, #tpu.memory_space<hbm>>
      %dma_wait3A_135 = arith.constant 0 : i32
      %dma_wait3A_136 = arith.constant 0 : i32
      %dma_wait3A_137 = tpu.memref_slice %arg6[%run_scoped3A_98, %dma_wait3A_135, %dma_wait3A_136] : memref<4x128x64xf32, #tpu.memory_space<vmem>> -> memref<1x128x64xf32, #tpu.memory_space<vmem>>
      %dma_wait3A_138 = tpu.memref_squeeze %dma_wait3A_137 : memref<1x128x64xf32, #tpu.memory_space<vmem>> -> memref<128x64xf32, #tpu.memory_space<vmem>>
      tpu.wait_dma2 semaphore(%run_scoped3A_114 : memref<!tpu.dma_semaphore, #tpu.memory_space<semaphore_mem>>) src(%dma_wait3A_138 : memref<128x64xf32, #tpu.memory_space<vmem>>) dst(%dma_wait3A_134 : memref<128x64xf32, #tpu.memory_space<hbm>>)
      tpu.yield
    }) : () -> ()
    %dma_wait3A_99 = arith.constant 99 : i32
    %dma_wait3A_100 = arith.constant 3 : i32
    %dma_wait3A_101 = arith.constant 0 : i32
    %dma_wait3A_102 = arith.constant 0 : i32
    %dma_wait3A_103 = tpu.memref_slice %arg6[%dma_wait3A_100, %dma_wait3A_101, %dma_wait3A_102] : memref<4x128x64xf32, #tpu.memory_space<vmem>> -> memref<1x128x64xf32, #tpu.memory_space<vmem>>
    %dma_wait3A_104 = tpu.memref_squeeze %dma_wait3A_103 : memref<1x128x64xf32, #tpu.memory_space<vmem>> -> memref<128x64xf32, #tpu.memory_space<vmem>>
    %dma_wait3A_105 = arith.constant 0 : i32
    %dma_wait3A_106 = tpu.memref_slice %arg5[%dma_wait3A_99, %dma_wait3A_105] : memref<100x128xi32, #tpu.memory_space<vmem>> -> memref<1x128xi32, #tpu.memory_space<vmem>>
    %dma_wait3A_107 = tpu.memref_squeeze %dma_wait3A_106 : memref<1x128xi32, #tpu.memory_space<vmem>> -> memref<128xi32, #tpu.memory_space<vmem>>
    %dma_wait3A_108 = arith.constant 0 : i32
    %dma_wait3A_109 = arith.constant 0 : i32
    %dma_wait3A_110 = tpu.memref_slice %arg2[%dma_wait3A_108, %dma_wait3A_109] : memref<100000x64xf32, #tpu.memory_space<hbm>> -> memref<100000x64xf32, #tpu.memory_space<hbm>>
    tpu.wait_indirect_dma semaphore(%arg10 : memref<!tpu.dma_semaphore, #tpu.memory_space<semaphore_mem>>) src(%dma_wait3A_110 : memref<100000x64xf32, #tpu.memory_space<hbm>>) dst(%dma_wait3A_104 : memref<128x64xf32, #tpu.memory_space<vmem>>)
    %add3A_111 = arith.constant 12672 : i32
    %add3A_112 = arith.addi %mul3A_2, %add3A_111 : i32
    %run_scoped3A_113 = arith.constant 3 : i32
    "tpu.region"() ({
      %run_scoped3A_114 = tpu.sem_alloc : memref<!tpu.dma_semaphore, #tpu.memory_space<semaphore_mem>>
      %dma_start3A_115 = arith.constant 0 : i32
      %dma_start3A_116 = arith.constant 0 : i32
      %dma_start3A_117 = tpu.memref_slice %arg6[%run_scoped3A_113, %dma_start3A_115, %dma_start3A_116] : memref<4x128x64xf32, #tpu.memory_space<vmem>> -> memref<1x128x64xf32, #tpu.memory_space<vmem>>
      %dma_start3A_118 = tpu.memref_squeeze %dma_start3A_117 : memref<1x128x64xf32, #tpu.memory_space<vmem>> -> memref<128x64xf32, #tpu.memory_space<vmem>>
      %dma_start3A_119 = arith.constant 0 : i32
      %dma_start3A_120 = tpu.memref_slice %arg4[%add3A_112, %dma_start3A_119] : memref<409600x64xf32, #tpu.memory_space<hbm>> -> memref<128x64xf32, #tpu.memory_space<hbm>>
      %dma_start3A_121 = arith.constant 0 : i32
      %dma_start3A_122 = tpu.memref_slice %arg4[%add3A_112, %dma_start3A_121] : memref<409600x64xf32, #tpu.memory_space<hbm>> -> memref<128x64xf32, #tpu.memory_space<hbm>>
      %dma_start3A_123 = arith.constant 0 : i32
      %dma_start3A_124 = arith.constant 0 : i32
      %dma_start3A_125 = tpu.memref_slice %arg6[%run_scoped3A_113, %dma_start3A_123, %dma_start3A_124] : memref<4x128x64xf32, #tpu.memory_space<vmem>> -> memref<1x128x64xf32, #tpu.memory_space<vmem>>
      %dma_start3A_126 = tpu.memref_squeeze %dma_start3A_125 : memref<1x128x64xf32, #tpu.memory_space<vmem>> -> memref<128x64xf32, #tpu.memory_space<vmem>>
      tpu.enqueue_dma source(%dma_start3A_126 : memref<128x64xf32, #tpu.memory_space<vmem>>) target(%dma_start3A_122 : memref<128x64xf32, #tpu.memory_space<hbm>>) target_semaphore(%run_scoped3A_114 : memref<!tpu.dma_semaphore, #tpu.memory_space<semaphore_mem>>)
      %dma_wait3A_127 = arith.constant 0 : i32
      %dma_wait3A_128 = arith.constant 0 : i32
      %dma_wait3A_129 = tpu.memref_slice %arg6[%run_scoped3A_113, %dma_wait3A_127, %dma_wait3A_128] : memref<4x128x64xf32, #tpu.memory_space<vmem>> -> memref<1x128x64xf32, #tpu.memory_space<vmem>>
      %dma_wait3A_130 = tpu.memref_squeeze %dma_wait3A_129 : memref<1x128x64xf32, #tpu.memory_space<vmem>> -> memref<128x64xf32, #tpu.memory_space<vmem>>
      %dma_wait3A_131 = arith.constant 0 : i32
      %dma_wait3A_132 = tpu.memref_slice %arg4[%add3A_112, %dma_wait3A_131] : memref<409600x64xf32, #tpu.memory_space<hbm>> -> memref<128x64xf32, #tpu.memory_space<hbm>>
      %dma_wait3A_133 = arith.constant 0 : i32
      %dma_wait3A_134 = tpu.memref_slice %arg4[%add3A_112, %dma_wait3A_133] : memref<409600x64xf32, #tpu.memory_space<hbm>> -> memref<128x64xf32, #tpu.memory_space<hbm>>
      %dma_wait3A_135 = arith.constant 0 : i32
      %dma_wait3A_136 = arith.constant 0 : i32
      %dma_wait3A_137 = tpu.memref_slice %arg6[%run_scoped3A_113, %dma_wait3A_135, %dma_wait3A_136] : memref<4x128x64xf32, #tpu.memory_space<vmem>> -> memref<1x128x64xf32, #tpu.memory_space<vmem>>
      %dma_wait3A_138 = tpu.memref_squeeze %dma_wait3A_137 : memref<1x128x64xf32, #tpu.memory_space<vmem>> -> memref<128x64xf32, #tpu.memory_space<vmem>>
      tpu.wait_dma2 semaphore(%run_scoped3A_114 : memref<!tpu.dma_semaphore, #tpu.memory_space<semaphore_mem>>) src(%dma_wait3A_138 : memref<128x64xf32, #tpu.memory_space<vmem>>) dst(%dma_wait3A_134 : memref<128x64xf32, #tpu.memory_space<hbm>>)
      tpu.yield
    }) : () -> ()
    return
  }
}

module attributes {stable_mosaic.version = 14 : i64} {
  func.func @_tc_body(%arg0: i32, %arg1: memref<2048x128xf32, #tpu.memory_space<vmem>>, %arg2: memref<2048x2xf32, #tpu.memory_space<vmem>>, %arg3: memref<1x128xf32, #tpu.memory_space<vmem>>, %arg4: memref<1x128xf32, #tpu.memory_space<vmem>>, %arg5: memref<1x128xf32, #tpu.memory_space<vmem>>, %arg6: memref<1x128xf32, #tpu.memory_space<vmem>>, %arg7: memref<1x128xf32, #tpu.memory_space<vmem>>, %arg8: memref<1x128xf32, #tpu.memory_space<vmem>>, %arg9: memref<1x128xf32, #tpu.memory_space<vmem>>, %arg10: memref<1x128xf32, #tpu.memory_space<vmem>>, %arg11: memref<2048x128xf32, #tpu.memory_space<vmem>>) attributes {dimension_semantics = [#tpu.dimension_semantics<arbitrary>], iteration_bounds = array<i64: 100>, scalar_prefetch = 0 : i64, scratch_operands = 0 : i64, tpu.core_type = #tpu.core_type<tc>, window_params = [{transform_indices = @transform_0, window_bounds = array<i64: 2048, 128>}, {transform_indices = @transform_1, window_bounds = array<i64: 2048, 2>}, {pipeline_mode = #tpu.pipeline_mode<synchronous>, transform_indices = @transform_2, window_bounds = array<i64: 1, 128>}, {pipeline_mode = #tpu.pipeline_mode<synchronous>, transform_indices = @transform_3, window_bounds = array<i64: 1, 128>}, {pipeline_mode = #tpu.pipeline_mode<synchronous>, transform_indices = @transform_4, window_bounds = array<i64: 1, 128>}, {pipeline_mode = #tpu.pipeline_mode<synchronous>, transform_indices = @transform_5, window_bounds = array<i64: 1, 128>}, {pipeline_mode = #tpu.pipeline_mode<synchronous>, transform_indices = @transform_6, window_bounds = array<i64: 1, 128>}, {pipeline_mode = #tpu.pipeline_mode<synchronous>, transform_indices = @transform_7, window_bounds = array<i64: 1, 128>}, {pipeline_mode = #tpu.pipeline_mode<synchronous>, transform_indices = @transform_8, window_bounds = array<i64: 1, 128>}, {pipeline_mode = #tpu.pipeline_mode<synchronous>, transform_indices = @transform_9, window_bounds = array<i64: 1, 128>}, {transform_indices = @transform_10, window_bounds = array<i64: 2048, 128>}]} {
    %get3A = arith.constant 0 : index
    %get3A_0 = arith.constant 0 : index
    %get3A_1 = vector.load %arg1[%get3A, %get3A_0] : memref<2048x128xf32, #tpu.memory_space<vmem>>, vector<2048x128xf32>
    %get3A_2 = arith.constant 0 : index
    %get3A_3 = arith.constant 0 : index
    %get3A_4 = vector.load %arg2[%get3A_2, %get3A_3] : memref<2048x2xf32, #tpu.memory_space<vmem>>, vector<2048x2xf32>
    %iota3A = tpu.iota {dimensions = array<i32: 0>} : vector<128x128xi32>
    %iota3A_5 = tpu.iota {dimensions = array<i32: 1>} : vector<128x128xi32>
    %jit3A = arith.constant 64 : i32
    %div3A = vector.broadcast %jit3A : i32 to vector<128x128xi32>
    %div3A_6 = arith.divsi %iota3A, %div3A : vector<128x128xi32>
    %sign3A = arith.constant 0 : i32
    %sign3A_7 = vector.broadcast %sign3A : i32 to vector<128x128xi32>
    %sign3A_8 = arith.cmpi sgt, %iota3A, %sign3A_7 : vector<128x128xi32>
    %sign3A_9 = arith.extui %sign3A_8 : vector<128x128xi1> to vector<128x128xi32>
    %sign3A_10 = arith.constant 0 : i32
    %sign3A_11 = vector.broadcast %sign3A_10 : i32 to vector<128x128xi32>
    %sign3A_12 = arith.cmpi slt, %iota3A, %sign3A_11 : vector<128x128xi32>
    %sign3A_13 = arith.extui %sign3A_12 : vector<128x128xi1> to vector<128x128xi32>
    %sign3A_14 = arith.subi %sign3A_9, %sign3A_13 : vector<128x128xi32>
    %sign3A_15 = arith.constant 0 : i32
    %sign3A_16 = arith.cmpi sgt, %jit3A, %sign3A_15 : i32
    %sign3A_17 = arith.extui %sign3A_16 : i1 to i32
    %sign3A_18 = arith.constant 0 : i32
    %sign3A_19 = arith.cmpi slt, %jit3A, %sign3A_18 : i32
    %sign3A_20 = arith.extui %sign3A_19 : i1 to i32
    %sign3A_21 = arith.subi %sign3A_17, %sign3A_20 : i32
    %ne3A = vector.broadcast %sign3A_21 : i32 to vector<128x128xi32>
    %ne3A_22 = arith.cmpi ne, %sign3A_14, %ne3A : vector<128x128xi32>
    %rem3A = vector.broadcast %jit3A : i32 to vector<128x128xi32>
    %rem3A_23 = arith.remsi %iota3A, %rem3A : vector<128x128xi32>
    %ne3A_24 = arith.constant 0 : i32
    %ne3A_25 = vector.broadcast %ne3A_24 : i32 to vector<128x128xi32>
    %ne3A_26 = arith.cmpi ne, %rem3A_23, %ne3A_25 : vector<128x128xi32>
    %and3A = arith.andi %ne3A_22, %ne3A_26 : vector<128x128xi1>
    %sub3A = arith.constant 1 : i32
    %sub3A_27 = vector.broadcast %sub3A : i32 to vector<128x128xi32>
    %sub3A_28 = arith.subi %div3A_6, %sub3A_27 : vector<128x128xi32>
    %select_n3A = arith.select %and3A, %sub3A_28, %div3A_6 : vector<128x128xi1>, vector<128x128xi32>
    %jit3A_29 = arith.constant 64 : i32
    %div3A_30 = vector.broadcast %jit3A_29 : i32 to vector<128x128xi32>
    %div3A_31 = arith.divsi %iota3A_5, %div3A_30 : vector<128x128xi32>
    %sign3A_32 = arith.constant 0 : i32
    %sign3A_33 = vector.broadcast %sign3A_32 : i32 to vector<128x128xi32>
    %sign3A_34 = arith.cmpi sgt, %iota3A_5, %sign3A_33 : vector<128x128xi32>
    %sign3A_35 = arith.extui %sign3A_34 : vector<128x128xi1> to vector<128x128xi32>
    %sign3A_36 = arith.constant 0 : i32
    %sign3A_37 = vector.broadcast %sign3A_36 : i32 to vector<128x128xi32>
    %sign3A_38 = arith.cmpi slt, %iota3A_5, %sign3A_37 : vector<128x128xi32>
    %sign3A_39 = arith.extui %sign3A_38 : vector<128x128xi1> to vector<128x128xi32>
    %sign3A_40 = arith.subi %sign3A_35, %sign3A_39 : vector<128x128xi32>
    %sign3A_41 = arith.constant 0 : i32
    %sign3A_42 = arith.cmpi sgt, %jit3A_29, %sign3A_41 : i32
    %sign3A_43 = arith.extui %sign3A_42 : i1 to i32
    %sign3A_44 = arith.constant 0 : i32
    %sign3A_45 = arith.cmpi slt, %jit3A_29, %sign3A_44 : i32
    %sign3A_46 = arith.extui %sign3A_45 : i1 to i32
    %sign3A_47 = arith.subi %sign3A_43, %sign3A_46 : i32
    %ne3A_48 = vector.broadcast %sign3A_47 : i32 to vector<128x128xi32>
    %ne3A_49 = arith.cmpi ne, %sign3A_40, %ne3A_48 : vector<128x128xi32>
    %rem3A_50 = vector.broadcast %jit3A_29 : i32 to vector<128x128xi32>
    %rem3A_51 = arith.remsi %iota3A_5, %rem3A_50 : vector<128x128xi32>
    %ne3A_52 = arith.constant 0 : i32
    %ne3A_53 = vector.broadcast %ne3A_52 : i32 to vector<128x128xi32>
    %ne3A_54 = arith.cmpi ne, %rem3A_51, %ne3A_53 : vector<128x128xi32>
    %and3A_55 = arith.andi %ne3A_49, %ne3A_54 : vector<128x128xi1>
    %sub3A_56 = arith.constant 1 : i32
    %sub3A_57 = vector.broadcast %sub3A_56 : i32 to vector<128x128xi32>
    %sub3A_58 = arith.subi %div3A_31, %sub3A_57 : vector<128x128xi32>
    %select_n3A_59 = arith.select %and3A_55, %sub3A_58, %div3A_31 : vector<128x128xi1>, vector<128x128xi32>
    %eq3A = arith.cmpi eq, %select_n3A, %select_n3A_59 : vector<128x128xi32>
    %jit3A_60 = arith.constant 1.562500e-02 : f32
    %jit3A_61 = arith.constant 0.000000e+00 : f32
    %broadcast_in_dim3A = vector.broadcast %jit3A_60 : f32 to vector<128x128xf32>
    %broadcast_in_dim3A_62 = vector.broadcast %jit3A_61 : f32 to vector<128x128xf32>
    %select_n3A_63 = arith.select %eq3A, %broadcast_in_dim3A, %broadcast_in_dim3A_62 : vector<128x128xi1>, vector<128x128xf32>
    %get3A_64 = arith.constant 0 : index
    %get3A_65 = arith.constant 0 : index
    %get3A_66 = vector.load %arg5[%get3A_64, %get3A_65] : memref<1x128xf32, #tpu.memory_space<vmem>>, vector<1x128xf32>
    %get3A_67 = arith.constant 0 : index
    %get3A_68 = arith.constant 0 : index
    %get3A_69 = vector.load %arg6[%get3A_67, %get3A_68] : memref<1x128xf32, #tpu.memory_space<vmem>>, vector<1x128xf32>
    %dot_general3A = arith.constant dense<0.000000e+00> : vector<2048x128xf32>
    %dot_general3A_70 = tpu.matmul %get3A_1, %select_n3A_63, %dot_general3A {dimension_numbers = #tpu.dot_dimension_numbers<[1], [0], [0], [1], [0, 0, 1, 1], [], []>, transpose_lhs_hint = false} : vector<2048x128xf32>, vector<128x128xf32>, vector<2048x128xf32> -> vector<2048x128xf32>
    %mul3A = arith.mulf %get3A_1, %get3A_1 : vector<2048x128xf32>
    %dot_general3A_71 = arith.constant dense<0.000000e+00> : vector<2048x128xf32>
    %dot_general3A_72 = tpu.matmul %mul3A, %select_n3A_63, %dot_general3A_71 {dimension_numbers = #tpu.dot_dimension_numbers<[1], [0], [0], [1], [0, 0, 1, 1], [], []>, transpose_lhs_hint = false} : vector<2048x128xf32>, vector<128x128xf32>, vector<2048x128xf32> -> vector<2048x128xf32>
    %mul3A_73 = arith.mulf %dot_general3A_70, %dot_general3A_70 : vector<2048x128xf32>
    %sub3A_74 = arith.subf %dot_general3A_72, %mul3A_73 : vector<2048x128xf32>
    %add3A = arith.constant 9.99999974E-6 : f32
    %add3A_75 = vector.broadcast %add3A : f32 to vector<2048x128xf32>
    %add3A_76 = arith.addf %sub3A_74, %add3A_75 : vector<2048x128xf32>
    %rsqrt3A = math.rsqrt %add3A_76 : vector<2048x128xf32>
    %sub3A_77 = arith.subf %get3A_1, %dot_general3A_70 : vector<2048x128xf32>
    %mul3A_78 = arith.mulf %sub3A_77, %rsqrt3A : vector<2048x128xf32>
    %mul3A_79 = vector.broadcast %get3A_66 : vector<1x128xf32> to vector<2048x128xf32>
    %mul3A_80 = arith.mulf %mul3A_78, %mul3A_79 : vector<2048x128xf32>
    %add3A_81 = vector.broadcast %get3A_69 : vector<1x128xf32> to vector<2048x128xf32>
    %add3A_82 = arith.addf %mul3A_80, %add3A_81 : vector<2048x128xf32>
    %get3A_83 = arith.constant 0 : index
    %get3A_84 = arith.constant 0 : index
    %get3A_85 = vector.load %arg3[%get3A_83, %get3A_84] : memref<1x128xf32, #tpu.memory_space<vmem>>, vector<1x128xf32>
    %get3A_86 = arith.constant 0 : index
    %get3A_87 = arith.constant 0 : index
    %get3A_88 = vector.load %arg4[%get3A_86, %get3A_87] : memref<1x128xf32, #tpu.memory_space<vmem>>, vector<1x128xf32>
    %slice3A = vector.extract_strided_slice %get3A_85 {offsets = [0, 0], sizes = [1, 64], strides = [1, 1]} : vector<1x128xf32> to vector<1x64xf32>
    %reduce_sum3A = arith.constant dense<0.000000e+00> : vector<1xf32>
    %reduce_sum3A_89 = vector.multi_reduction <add>, %slice3A, %reduce_sum3A [1] : vector<1x64xf32> to vector<1xf32>
    %broadcast_in_dim3A_90 = vector.shape_cast %reduce_sum3A_89 : vector<1xf32> to vector<1x1xf32>
    %div3A_91 = arith.constant 6.400000e+01 : f32
    %div3A_92 = vector.broadcast %div3A_91 : f32 to vector<1x1xf32>
    %div3A_93 = arith.divf %broadcast_in_dim3A_90, %div3A_92 : vector<1x1xf32>
    %slice3A_94 = vector.extract_strided_slice %get3A_88 {offsets = [0, 0], sizes = [1, 64], strides = [1, 1]} : vector<1x128xf32> to vector<1x64xf32>
    %reduce_sum3A_95 = arith.constant dense<0.000000e+00> : vector<1xf32>
    %reduce_sum3A_96 = vector.multi_reduction <add>, %slice3A_94, %reduce_sum3A_95 [1] : vector<1x64xf32> to vector<1xf32>
    %broadcast_in_dim3A_97 = vector.shape_cast %reduce_sum3A_96 : vector<1xf32> to vector<1x1xf32>
    %div3A_98 = arith.constant 6.400000e+01 : f32
    %div3A_99 = vector.broadcast %div3A_98 : f32 to vector<1x1xf32>
    %div3A_100 = arith.divf %broadcast_in_dim3A_97, %div3A_99 : vector<1x1xf32>
    %sub3A_101 = vector.broadcast %div3A_93 : vector<1x1xf32> to vector<1x128xf32>
    %sub3A_102 = arith.subf %get3A_85, %sub3A_101 : vector<1x128xf32>
    %sub3A_103 = vector.broadcast %div3A_100 : vector<1x1xf32> to vector<1x128xf32>
    %sub3A_104 = arith.subf %get3A_88, %sub3A_103 : vector<1x128xf32>
    %slice3A_105 = vector.extract_strided_slice %sub3A_102 {offsets = [0, 0], sizes = [1, 64], strides = [1, 1]} : vector<1x128xf32> to vector<1x64xf32>
    %slice3A_106 = vector.extract_strided_slice %sub3A_102 {offsets = [0, 0], sizes = [1, 64], strides = [1, 1]} : vector<1x128xf32> to vector<1x64xf32>
    %mul3A_107 = arith.mulf %slice3A_105, %slice3A_106 : vector<1x64xf32>
    %reduce_sum3A_108 = arith.constant dense<0.000000e+00> : vector<1xf32>
    %reduce_sum3A_109 = vector.multi_reduction <add>, %mul3A_107, %reduce_sum3A_108 [1] : vector<1x64xf32> to vector<1xf32>
    %broadcast_in_dim3A_110 = vector.shape_cast %reduce_sum3A_109 : vector<1xf32> to vector<1x1xf32>
    %div3A_111 = arith.constant 6.400000e+01 : f32
    %div3A_112 = vector.broadcast %div3A_111 : f32 to vector<1x1xf32>
    %div3A_113 = arith.divf %broadcast_in_dim3A_110, %div3A_112 : vector<1x1xf32>
    %slice3A_114 = vector.extract_strided_slice %sub3A_102 {offsets = [0, 0], sizes = [1, 64], strides = [1, 1]} : vector<1x128xf32> to vector<1x64xf32>
    %slice3A_115 = vector.extract_strided_slice %sub3A_104 {offsets = [0, 0], sizes = [1, 64], strides = [1, 1]} : vector<1x128xf32> to vector<1x64xf32>
    %mul3A_116 = arith.mulf %slice3A_114, %slice3A_115 : vector<1x64xf32>
    %reduce_sum3A_117 = arith.constant dense<0.000000e+00> : vector<1xf32>
    %reduce_sum3A_118 = vector.multi_reduction <add>, %mul3A_116, %reduce_sum3A_117 [1] : vector<1x64xf32> to vector<1xf32>
    %broadcast_in_dim3A_119 = vector.shape_cast %reduce_sum3A_118 : vector<1xf32> to vector<1x1xf32>
    %div3A_120 = arith.constant 6.400000e+01 : f32
    %div3A_121 = vector.broadcast %div3A_120 : f32 to vector<1x1xf32>
    %div3A_122 = arith.divf %broadcast_in_dim3A_119, %div3A_121 : vector<1x1xf32>
    %slice3A_123 = vector.extract_strided_slice %sub3A_104 {offsets = [0, 0], sizes = [1, 64], strides = [1, 1]} : vector<1x128xf32> to vector<1x64xf32>
    %slice3A_124 = vector.extract_strided_slice %sub3A_104 {offsets = [0, 0], sizes = [1, 64], strides = [1, 1]} : vector<1x128xf32> to vector<1x64xf32>
    %mul3A_125 = arith.mulf %slice3A_123, %slice3A_124 : vector<1x64xf32>
    %reduce_sum3A_126 = arith.constant dense<0.000000e+00> : vector<1xf32>
    %reduce_sum3A_127 = vector.multi_reduction <add>, %mul3A_125, %reduce_sum3A_126 [1] : vector<1x64xf32> to vector<1xf32>
    %broadcast_in_dim3A_128 = vector.shape_cast %reduce_sum3A_127 : vector<1xf32> to vector<1x1xf32>
    %div3A_129 = arith.constant 6.400000e+01 : f32
    %div3A_130 = vector.broadcast %div3A_129 : f32 to vector<1x1xf32>
    %div3A_131 = arith.divf %broadcast_in_dim3A_128, %div3A_130 : vector<1x1xf32>
    %mul3A_132 = vector.broadcast %div3A_113 : vector<1x1xf32> to vector<2048x2xf32>
    %mul3A_133 = arith.mulf %mul3A_132, %get3A_4 : vector<2048x2xf32>
    %mul3A_134 = arith.mulf %mul3A_133, %get3A_4 : vector<2048x2xf32>
    %mul3A_135 = arith.constant 2.000000e+00 : f32
    %mul3A_136 = vector.broadcast %mul3A_135 : f32 to vector<1x1xf32>
    %mul3A_137 = arith.mulf %mul3A_136, %div3A_122 : vector<1x1xf32>
    %mul3A_138 = vector.broadcast %mul3A_137 : vector<1x1xf32> to vector<2048x2xf32>
    %mul3A_139 = arith.mulf %mul3A_138, %get3A_4 : vector<2048x2xf32>
    %add3A_140 = arith.addf %mul3A_134, %mul3A_139 : vector<2048x2xf32>
    %add3A_141 = vector.broadcast %div3A_131 : vector<1x1xf32> to vector<2048x2xf32>
    %add3A_142 = arith.addf %add3A_140, %add3A_141 : vector<2048x2xf32>
    %add3A_143 = arith.constant 9.99999974E-6 : f32
    %add3A_144 = vector.broadcast %add3A_143 : f32 to vector<2048x2xf32>
    %add3A_145 = arith.addf %add3A_142, %add3A_144 : vector<2048x2xf32>
    %rsqrt3A_146 = math.rsqrt %add3A_145 : vector<2048x2xf32>
    %mul3A_147 = arith.mulf %get3A_4, %rsqrt3A_146 : vector<2048x2xf32>
    %slice3A_148 = vector.extract_strided_slice %mul3A_147 {offsets = [0, 0], sizes = [2048, 1], strides = [1, 1]} : vector<2048x2xf32> to vector<2048x1xf32>
    %broadcast_in_dim3A_149 = vector.shape_cast %slice3A_148 : vector<2048x1xf32> to vector<2048x1xf32>
    %broadcast_in_dim3A_150 = vector.broadcast %broadcast_in_dim3A_149 : vector<2048x1xf32> to vector<2048x64xf32>
    %slice3A_151 = vector.extract_strided_slice %mul3A_147 {offsets = [0, 1], sizes = [2048, 1], strides = [1, 1]} : vector<2048x2xf32> to vector<2048x1xf32>
    %broadcast_in_dim3A_152 = vector.shape_cast %slice3A_151 : vector<2048x1xf32> to vector<2048x1xf32>
    %broadcast_in_dim3A_153 = vector.broadcast %broadcast_in_dim3A_152 : vector<2048x1xf32> to vector<2048x64xf32>
    %concatenate3A = tpu.concatenate %broadcast_in_dim3A_150, %broadcast_in_dim3A_153 in 1 : vector<2048x64xf32>, vector<2048x64xf32> -> vector<2048x128xf32>
    %slice3A_154 = vector.extract_strided_slice %rsqrt3A_146 {offsets = [0, 0], sizes = [2048, 1], strides = [1, 1]} : vector<2048x2xf32> to vector<2048x1xf32>
    %broadcast_in_dim3A_155 = vector.shape_cast %slice3A_154 : vector<2048x1xf32> to vector<2048x1xf32>
    %broadcast_in_dim3A_156 = vector.broadcast %broadcast_in_dim3A_155 : vector<2048x1xf32> to vector<2048x64xf32>
    %slice3A_157 = vector.extract_strided_slice %rsqrt3A_146 {offsets = [0, 1], sizes = [2048, 1], strides = [1, 1]} : vector<2048x2xf32> to vector<2048x1xf32>
    %broadcast_in_dim3A_158 = vector.shape_cast %slice3A_157 : vector<2048x1xf32> to vector<2048x1xf32>
    %broadcast_in_dim3A_159 = vector.broadcast %broadcast_in_dim3A_158 : vector<2048x1xf32> to vector<2048x64xf32>
    %concatenate3A_160 = tpu.concatenate %broadcast_in_dim3A_156, %broadcast_in_dim3A_159 in 1 : vector<2048x64xf32>, vector<2048x64xf32> -> vector<2048x128xf32>
    %get3A_161 = arith.constant 0 : index
    %get3A_162 = arith.constant 0 : index
    %get3A_163 = vector.load %arg7[%get3A_161, %get3A_162] : memref<1x128xf32, #tpu.memory_space<vmem>>, vector<1x128xf32>
    %mul3A_164 = arith.mulf %sub3A_102, %get3A_163 : vector<1x128xf32>
    %mul3A_165 = vector.broadcast %mul3A_164 : vector<1x128xf32> to vector<2048x128xf32>
    %mul3A_166 = arith.mulf %concatenate3A, %mul3A_165 : vector<2048x128xf32>
    %mul3A_167 = arith.mulf %sub3A_104, %get3A_163 : vector<1x128xf32>
    %mul3A_168 = vector.broadcast %mul3A_167 : vector<1x128xf32> to vector<2048x128xf32>
    %mul3A_169 = arith.mulf %concatenate3A_160, %mul3A_168 : vector<2048x128xf32>
    %add3A_170 = arith.addf %mul3A_166, %mul3A_169 : vector<2048x128xf32>
    %get3A_171 = arith.constant 0 : index
    %get3A_172 = arith.constant 0 : index
    %get3A_173 = vector.load %arg8[%get3A_171, %get3A_172] : memref<1x128xf32, #tpu.memory_space<vmem>>, vector<1x128xf32>
    %add3A_174 = vector.broadcast %get3A_173 : vector<1x128xf32> to vector<2048x128xf32>
    %add3A_175 = arith.addf %add3A_170, %add3A_174 : vector<2048x128xf32>
    %add3A_176 = arith.addf %add3A_82, %add3A_175 : vector<2048x128xf32>
    %mul3A_177 = arith.constant 8.000000e+00 : f32
    %mul3A_178 = vector.broadcast %mul3A_177 : f32 to vector<2048x128xf32>
    %mul3A_179 = arith.mulf %add3A_176, %mul3A_178 : vector<2048x128xf32>
    %get3A_180 = arith.constant 0 : index
    %get3A_181 = arith.constant 0 : index
    %get3A_182 = vector.load %arg9[%get3A_180, %get3A_181] : memref<1x128xf32, #tpu.memory_space<vmem>>, vector<1x128xf32>
    %get3A_183 = arith.constant 0 : index
    %get3A_184 = arith.constant 0 : index
    %get3A_185 = vector.load %arg10[%get3A_183, %get3A_184] : memref<1x128xf32, #tpu.memory_space<vmem>>, vector<1x128xf32>
    %dot_general3A_186 = arith.constant dense<0.000000e+00> : vector<2048x128xf32>
    %dot_general3A_187 = tpu.matmul %mul3A_179, %select_n3A_63, %dot_general3A_186 {dimension_numbers = #tpu.dot_dimension_numbers<[1], [0], [0], [1], [0, 0, 1, 1], [], []>, transpose_lhs_hint = false} : vector<2048x128xf32>, vector<128x128xf32>, vector<2048x128xf32> -> vector<2048x128xf32>
    %mul3A_188 = arith.mulf %mul3A_179, %mul3A_179 : vector<2048x128xf32>
    %dot_general3A_189 = arith.constant dense<0.000000e+00> : vector<2048x128xf32>
    %dot_general3A_190 = tpu.matmul %mul3A_188, %select_n3A_63, %dot_general3A_189 {dimension_numbers = #tpu.dot_dimension_numbers<[1], [0], [0], [1], [0, 0, 1, 1], [], []>, transpose_lhs_hint = false} : vector<2048x128xf32>, vector<128x128xf32>, vector<2048x128xf32> -> vector<2048x128xf32>
    %mul3A_191 = arith.mulf %dot_general3A_187, %dot_general3A_187 : vector<2048x128xf32>
    %sub3A_192 = arith.subf %dot_general3A_190, %mul3A_191 : vector<2048x128xf32>
    %add3A_193 = arith.constant 9.99999974E-6 : f32
    %add3A_194 = vector.broadcast %add3A_193 : f32 to vector<2048x128xf32>
    %add3A_195 = arith.addf %sub3A_192, %add3A_194 : vector<2048x128xf32>
    %rsqrt3A_196 = math.rsqrt %add3A_195 : vector<2048x128xf32>
    %sub3A_197 = arith.subf %mul3A_179, %dot_general3A_187 : vector<2048x128xf32>
    %mul3A_198 = arith.mulf %sub3A_197, %rsqrt3A_196 : vector<2048x128xf32>
    %mul3A_199 = vector.broadcast %get3A_182 : vector<1x128xf32> to vector<2048x128xf32>
    %mul3A_200 = arith.mulf %mul3A_198, %mul3A_199 : vector<2048x128xf32>
    %add3A_201 = vector.broadcast %get3A_185 : vector<1x128xf32> to vector<2048x128xf32>
    %add3A_202 = arith.addf %mul3A_200, %add3A_201 : vector<2048x128xf32>
    %swap3A = arith.constant 0 : index
    %swap3A_203 = arith.constant 0 : index
    %swap3A_204 = vector.load %arg11[%swap3A, %swap3A_203] : memref<2048x128xf32, #tpu.memory_space<vmem>>, vector<2048x128xf32>
    tpu.vector_store %arg11[%swap3A, %swap3A_203], %add3A_202 {strides = array<i32>} : memref<2048x128xf32, #tpu.memory_space<vmem>>, vector<2048x128xf32>,
    return
  }
  func.func @transform_0(%arg0: i32) -> (i32, i32) {
    %c0_i32 = arith.constant 0 : i32
    %c0_i32_0 = arith.constant 0 : i32
    return %arg0, %c0_i32 : i32, i32
  }
  func.func @transform_1(%arg0: i32) -> (i32, i32) {
    %c0_i32 = arith.constant 0 : i32
    %c0_i32_0 = arith.constant 0 : i32
    return %arg0, %c0_i32 : i32, i32
  }
  func.func @transform_2(%arg0: i32) -> (i32, i32) {
    %c0_i32 = arith.constant 0 : i32
    %c0_i32_0 = arith.constant 0 : i32
    %c0_i32_1 = arith.constant 0 : i32
    return %c0_i32, %c0_i32_0 : i32, i32
  }
  func.func @transform_3(%arg0: i32) -> (i32, i32) {
    %c0_i32 = arith.constant 0 : i32
    %c0_i32_0 = arith.constant 0 : i32
    %c0_i32_1 = arith.constant 0 : i32
    return %c0_i32, %c0_i32_0 : i32, i32
  }
  func.func @transform_4(%arg0: i32) -> (i32, i32) {
    %c0_i32 = arith.constant 0 : i32
    %c0_i32_0 = arith.constant 0 : i32
    %c0_i32_1 = arith.constant 0 : i32
    return %c0_i32, %c0_i32_0 : i32, i32
  }
  func.func @transform_5(%arg0: i32) -> (i32, i32) {
    %c0_i32 = arith.constant 0 : i32
    %c0_i32_0 = arith.constant 0 : i32
    %c0_i32_1 = arith.constant 0 : i32
    return %c0_i32, %c0_i32_0 : i32, i32
  }
  func.func @transform_6(%arg0: i32) -> (i32, i32) {
    %c0_i32 = arith.constant 0 : i32
    %c0_i32_0 = arith.constant 0 : i32
    %c0_i32_1 = arith.constant 0 : i32
    return %c0_i32, %c0_i32_0 : i32, i32
  }
  func.func @transform_7(%arg0: i32) -> (i32, i32) {
    %c0_i32 = arith.constant 0 : i32
    %c0_i32_0 = arith.constant 0 : i32
    %c0_i32_1 = arith.constant 0 : i32
    return %c0_i32, %c0_i32_0 : i32, i32
  }
  func.func @transform_8(%arg0: i32) -> (i32, i32) {
    %c0_i32 = arith.constant 0 : i32
    %c0_i32_0 = arith.constant 0 : i32
    %c0_i32_1 = arith.constant 0 : i32
    return %c0_i32, %c0_i32_0 : i32, i32
  }
  func.func @transform_9(%arg0: i32) -> (i32, i32) {
    %c0_i32 = arith.constant 0 : i32
    %c0_i32_0 = arith.constant 0 : i32
    %c0_i32_1 = arith.constant 0 : i32
    return %c0_i32, %c0_i32_0 : i32, i32
  }
  func.func @transform_10(%arg0: i32) -> (i32, i32) {
    %c0_i32 = arith.constant 0 : i32
    %c0_i32_0 = arith.constant 0 : i32
    return %arg0, %c0_i32 : i32, i32
  }
}

</mosaic_0001>

<sc_bundles>
// kernel: kernel.6.cloned.1.call-start
scs
__scs_entry_jumppad:
0x0: {  	(pc) =	sbr.rel $0x88, $3  }
0x1: {  	(tag) =	ssettag $0x0;
	lr =	simm.s32 $0x1  }
0x2: {  	[smem:$0x3F96] =	sst lr;
	_ =	strace $0xD0000000  }
0x3: {  	_ = 	snop  }
0x4: {  	_ = 	snop  }
0x5: {  	_ = 	snop  }
0x6: {  	_ = 	snop  }
0x7: {  	_ = 	snop  }
__scs_overlays_trampoline_lowered:
0x8: {  	[smem:$0x3FA5] =	sst s0  }
0x9: {  	[smem:$0x3FA6] =	sst s1  }
0xa: {  	[smem:$0x3FA7] =	sst s2  }
0xb: {  	[smem:$0x3FA8] =	sst s3  }
0xc: {  	[smem:$0x3FA9] =	sst s4  }
0xd: {  	[smem:$0x3FAA] =	sst s5  }
0xe: {  	[smem:$0x3FAB] =	sst s6  }
0xf: {  	[smem:$0x3FAC] =	sst s7  }
0x10: {  	[smem:$0x3FAD] =	sst s8  }
0x11: {  	[smem:$0x3FAE] =	sst s9;
	s0 =	simm.s32 @!p0 $0x0  }
0x12: {  	s1 =	sld [smem:$0x3F94];
	s0 =	simm.s32 @p0 $0x1  }
0x13: {  	[smem:$0x3FAF] =	sst s0;
	s0 =	simm.s32 @!p1 $0x0  }
0x14: {  	s2 =	sld [smem:$0x3F93];
	s0 =	simm.s32 @p1 $0x1  }
0x15: {  	[smem:$0x3FB0] =	sst s0;
	s0 =	simm.s32 @!p2 $0x0  }
0x16: {  	s3 =	sld [smem:$0x3FDB];
	s0 =	simm.s32 @p2 $0x1  }
0x17: {  	s4 =	simm.s32 $0x1BF5;
	[smem:$0x3FB2] =	sst s0  }
0x18: {  	s0 =	sld [smem:$0x3F95];
	_ =	swait.ge [sflag:s4], $0x0  }
0x19: {  	s7 =	sld [smem:$0x3F96]  }
0x1a: {  	s8 =	sadd.s32 $0xFFFFE003, lr  }
0x1b: {  	s9 =	sadd.s32 $0xFFFFFEF7, lr;
	s5 =	simm.s32 $0xFFFFFFFF;
	p2 =	slt.u32 s8, $0xFFFFF086  }
0x1c: {  	p1 =	slt.u32 s9, $0xF7A;
	s5 =	simm.s32 @!p2 $0x0  }
0x1d: {  	s5 =	simm.s32 @p1 $0x1;
	p0 =	seq.s32 s7, s2  }
0x1e: {  	s7 =	smul.u32 @!p0 $0xF7A, s2;
	p2 =	seq.s32 @!p0 s5, $0x0  }
0x1f: {  	s9 =	smul.u32 $0xF7A, s1;
	s8 =	simm.s32 @!p0 $0x1BF5;
	p2 =	por !p2, p0  }
0x20: {  	[sflag:s8] =	ssyncset.s32 @!p0 $0xFFFFF086;
	s6 =	sadd.s32 @!p0 s3, s7;
	s7 =	simm.s32 @!p0 $0x108  }
0x21: {  	s3 =	sadd.s32 s3, s9;
	s6 =	sadd.s32 @!p0 $0x88, s6;
	s7 =	simm.s32 @p2 $0x1082  }
0x22: {  	[simem:s7], [sflag:s8] =	dma.local @!p0 [hbm:s6], $0xF7A  }
0x23: {  	s9 =	sor.u32 $0xD0000000, s2;
	s6 =	simm.s32 $0x108;
	_ =	swait.ge @!p0 [sflag:s8], $0x0  }
0x24: {  	s3 =	sadd.s32 $0x88, s3;
	s6 =	simm.s32 @!p1 $0x1082;
	[sflag:s4] =	ssyncset.s32 $0xFFFFF086  }
0x25: {  	[simem:s6], [sflag:s4] =	dma.local [hbm:s3], $0xF7A  }
0x26: {  	[smem:$0x3F96] =	sst s1;
	(tag) =	ssettag s2;
	_ =	strace s9  }
0x27: {  	s1 =	sld [smem:$0x3FA6]  }
0x28: {  	s2 =	sld [smem:$0x3FA7]  }
0x29: {  	s4 =	sld [smem:$0x3FA9]  }
0x2a: {  	p0 =	seq.s32 s5, $0x0;
	s5 =	sld [smem:$0x3FAA]  }
0x2b: {  	s6 =	sld [smem:$0x3FAB]  }
0x2c: {  	s7 =	sld [smem:$0x3FAC]  }
0x2d: {  	s3 =	simm.s32 $0x108;
	s8 =	sld [smem:$0x3FAD]  }
0x2e: {  	s3 =	simm.s32 @!p0 $0x1082;
	s9 =	sld [smem:$0x3FAE]  }
0x2f: {  	lr =	sadd.s32 s0, s3;
	s0 =	sld [smem:$0x3FA5]  }
0x30: {  	s3 =	sld [smem:$0x3FA8]  }
0x31: {  	[smem:$0x3FB1] =	sst s10  }
0x32: {  	s10 =	sld [smem:$0x3FAF];
	_ =	sdelay $0x3  }
0x33: {  	p0 =	seq.s32 s10, $0x1;
	s10 =	sld [smem:$0x3FB1];
	_ =	sdelay $0x3  }
0x34: {  	[smem:$0x3FB1] =	sst s10  }
0x35: {  	s10 =	sld [smem:$0x3FB0];
	_ =	sdelay $0x3  }
0x36: {  	p1 =	seq.s32 s10, $0x1;
	s10 =	sld [smem:$0x3FB1];
	_ =	sdelay $0x3  }
0x37: {  	[smem:$0x3FB1] =	sst s10  }
0x38: {  	s10 =	sld [smem:$0x3FB2]  }
0x39: {  	_ = 	snop;
	(pc) =	sbr.ind lr, $3  }
0x3a: {  	_ = 	snop  }
0x3b: {  	_ = 	snop  }
0x3c: {  	p2 =	seq.s32 s10, $0x1;
	s10 =	sld [smem:$0x3FB1]  }
0x3d: {  	_ =	shalt  }
0x3e: {  	_ =	shalt  }
0x3f: {  	_ =	shalt  }
0x40: {  	_ =	shalt  }
0x41: {  	_ =	shalt  }
0x42: {  	_ =	shalt  }
0x43: {  	_ =	shalt  }
0x44: {  	_ =	shalt  }
0x45: {  	_ =	shalt  }
0x46: {  	_ =	shalt  }
0x47: {  	_ =	shalt  }
0x48: {  	_ =	shalt  }
0x49: {  	_ =	shalt  }
0x4a: {  	_ =	shalt  }
0x4b: {  	_ =	shalt  }
0x4c: {  	_ =	shalt  }
0x4d: {  	_ =	shalt  }
0x4e: {  	_ =	shalt  }
0x4f: {  	_ =	shalt  }
0x50: {  	_ =	shalt  }
0x51: {  	_ =	shalt  }
0x52: {  	_ =	shalt  }
0x53: {  	_ =	shalt  }
0x54: {  	_ =	shalt  }
0x55: {  	_ =	shalt  }
0x56: {  	_ =	shalt  }
0x57: {  	_ =	shalt  }
0x58: {  	_ =	shalt  }
0x59: {  	_ =	shalt  }
0x5a: {  	_ =	shalt  }
0x5b: {  	_ =	shalt  }
0x5c: {  	_ =	shalt  }
0x5d: {  	_ =	shalt  }
0x5e: {  	_ =	shalt  }
0x5f: {  	_ =	shalt  }
0x60: {  	_ =	shalt  }
0x61: {  	_ =	shalt  }
0x62: {  	_ =	shalt  }
0x63: {  	_ =	shalt  }
0x64: {  	_ =	shalt  }
0x65: {  	_ =	shalt  }
0x66: {  	_ =	shalt  }
0x67: {  	_ =	shalt  }
0x68: {  	_ =	shalt  }
0x69: {  	_ =	shalt  }
0x6a: {  	_ =	shalt  }
0x6b: {  	_ =	shalt  }
0x6c: {  	_ =	shalt  }
0x6d: {  	_ =	shalt  }
0x6e: {  	_ =	shalt  }
0x6f: {  	_ =	shalt  }
0x70: {  	_ =	shalt  }
0x71: {  	_ =	shalt  }
0x72: {  	_ =	shalt  }
0x73: {  	_ =	shalt  }
0x74: {  	_ =	shalt  }
0x75: {  	_ =	shalt  }
0x76: {  	_ =	shalt  }
0x77: {  	_ =	shalt  }
0x78: {  	_ =	shalt  }
0x79: {  	_ =	shalt  }
0x7a: {  	_ =	shalt  }
0x7b: {  	_ =	shalt  }
0x7c: {  	_ =	shalt  }
0x7d: {  	_ =	shalt  }
0x7e: {  	_ =	shalt  }
0x7f: {  	_ =	shalt  }
0x80: {  	_ =	shalt  }
0x81: {  	_ =	shalt  }
0x82: {  	_ =	shalt  }
0x83: {  	_ =	shalt  }
0x84: {  	_ =	shalt  }
0x85: {  	_ =	shalt  }
0x86: {  	_ =	shalt  }
0x87: {  	_ =	shalt  }
.Lfunc_end0:
.L_simem_size_0:
called_computation.1_lowered:
.L_overlay_start_0:
0x88: {  	s2 =	sld [smem:$0x3FD9]  }
0x89: {  	s3 =	sld [smem:$0x3FFE];
	_ =	sdelay $0x1  }
0x8a: {  	s1 =	srdreg.scid  }
0x8b: {  	s0 =	sand.u32 $0x1, s1  }
0x8c: {  	s17 =	sshll.u32 s0, $0xA;
	s2 =	sadd.s32 s3, s2  }
0x8d: {  	s2 =	sadd.s32 s2, s17  }
0x8e: {  	[smem:$0x3FBD] =	sst s2  }
0x8f: {  	_ = 	snop  }
0x90: {  	(tm) =	ssettm $0x1  }
0x91: {  	s18 =	sld [smem:$0x3FFB];
	_ =	sdelay $0x3  }
0x92: {  	_ =	strace s18  }
0x93: {  	s2 =	sld [smem:$0x3FFC];
	_ =	sdelay $0x3  }
0x94: {  	_ =	strace s2  }
0x95: {  	s2 =	sld [smem:$0x3FFD];
	_ =	sdelay $0x3  }
0x96: {  	_ =	strace s2  }
0x97: {  	_ =	strace $0x8FFFFFFF  }
0x98: {  	s19 =	sld [smem:$0x3FDB];
	_ =	sdelay $0x1  }
0x99: {  	s20 =	simm.s32 $_scs_section_size  }
0x9a: {  	s4 =	simm.s32 $_size__tile_overlayer_lowered;
	s5 =	simm.s32 $_tile_overlayer_lowered  }
0x9b: {  	s6 =	simm.s32 $0x1BFF;
	s21 =	sshll.u32 s5, $0x1;
	s3 =	sadd.s32 s20, s19  }
0x9c: {  	s22 =	simm.s32 $0x0;
	s4 =	sshll.u32 s4, $0x1;
	s5 =	sadd.s32 s21, s3  }
0x9d: {  	[timem:s22], [sflag:s6] =	dma.local [hbm:s5], s4  }
0x9e: {  	_ =	swait.ge [sflag:s6], s4  }
0x9f: {  	s4 =	ssub.s32 $0x0, s4;
	[sflag:s6] =	ssyncset.done $0x0  }
0xa0: {  	[sflag:s6] =	ssyncadd.s32 s4;
	_ =	sdelay $0x1  }
0xa1: {  	s23 =	simm.s32 $0x1B8B  }
0xa2: {  	_ =	swait.ge [sflag:s23], $0x1  }
0xa3: {  	[sflag:s23] =	ssyncset.done $0x0  }
0xa4: {  	[sflag:s23] =	ssyncadd.s32 $0xFFFFFFFF  }
0xa5: {  	s4 =	sld [smem:$0x0]  }
0xa6: {  	s5 =	sand.u32 $0xFFFFFFFE, s1  }
0xa7: {  	p0 =	sne.s32 s1, s5  }
0xa8: {  	s5 =	sshll.u32 @p0 s5, $0xE  }
0xa9: {  	s5 =	sadd.s32 @p0 $0x11B8D, s5;
	s6 =	sshll.u32 @p0 s4, $0x11  }
0xaa: {  	s5 =	sor.u32 @p0 s6, s5  }
0xab: {  	[sflag:s5] =	ssyncadd.remote.s32 @p0 $0x1;
	_ =	sdelay $0x1  }
0xac: {  	s5 =	simm.s32 @p0 $0x1B8D  }
0xad: {  	_ =	swait.eq @p0 [sflag:s5], $0x1  }
0xae: {  	[sflag:s5] =	ssyncadd.s32 @p0 $0xFFFFFFFF  }
0xaf: {  	s6 =	sshll.u32 @!p0 s1, $0xE  }
0xb0: {  	s6 =	sor.u32 @!p0 $0x4000, s6;
	s5 =	simm.s32 @!p0 $0x1B8D  }
0xb1: {  	s4 =	sshll.u32 @!p0 s4, $0x11;
	s6 =	sadd.s32 @!p0 $0x11B8D, s6;
	_ =	swait.eq @!p0 [sflag:s5], $0x1  }
0xb2: {  	s4 =	sor.u32 @!p0 s4, s6;
	[sflag:s5] =	ssyncadd.s32 @!p0 $0xFFFFFFFF  }
0xb3: {  	s25 =	simm.s32 $0x1B8E;
	s24 =	sld [smem:$0x3FFE];
	[sflag:s4] =	ssyncadd.remote.s32 @!p0 $0x1  }
0xb4: {  	s26 =	simm.s32 $execute0_lowered;
	[smem:$0x3FD2] =	sst s25  }
0xb5: {  	s5 =	sshll.u32 s26, $0x1;
	_ =	strace $0x80000049;
	[dreg:$0x1] =	wrdreg $0xFFFFFFFF  }
0xb6: {  	s28 =	simm.s32 $_size_execute0_lowered;
	s3 =	sadd.s32 s3, s5;
	[dreg:$0x0] =	wrdreg $0x0  }
0xb7: {  	s5 =	sshll.u32 s28, $0x1;
	[dreg:$0x2] =	wrdreg s3  }
0xb8: {  	[dreg:$0x3] =	wrdreg s5  }
0xb9: {  	[dreg:$0x4] =	wrdreg $0xC0  }
0xba: {  	_ =	task [dreg:s22], $0x5FFFF  }
0xbb: {  	[dreg:$0x1] =	wrdreg $0xFFFFFFFF  }
0xbc: {  	[dreg:$0x0] =	wrdreg $0x60  }
0xbd: {  	[dreg:$0x2] =	wrdreg s24  }
0xbe: {  	[dreg:$0x3] =	wrdreg $0x9  }
0xbf: {  	_ =	task.clear_ibuf [dreg:s22], $0x4FFFF;
	_ =	strace $0x90000049  }
0xc0: {  	s29 =	simm.s32 $0x9;
	_ =	strace $0x8000004B  }
0xc1: {  	_ =	swait.ge [sflag:s29], $0x1  }
0xc2: {  	[sflag:s29] =	ssyncadd.s32 $0xFFFFFFFF  }
0xc3: {  	_ =	strace $0x9000004B  }
0xc4: {  	_ =	sfence  }
0xc5: {  	s30 =	sld [smem:$0x0];
	_ =	sdelay $0x2  }
0xc6: {  	s31 =	sshll.u32 s1, $0xD;
	s1 =	sshrl.u32 s1, $0x2  }
0xc7: {  	s4 =	sand.u32 $0x4000, s31;
	s1 =	sadd.s32 s1, s30  }
0xc8: {  	s0 =	sor.u32 s4, s0;
	s1 =	sshll.u32 s1, $0x11  }
0xc9: {  	s0 =	sor.u32 s1, s0  }
0xca: {  	s0 =	sadd.s32 $0x8F2B, s0  }
0xcb: {  	[sflag:s0] =	ssyncadd.remote.s32 $0x1  }
0xcc: {  	_ =	sfence.sel $0xFFFF  }
0xcd: {  	[dreg:$0x0] =	wrdreg $0xFFFFFFFF;
	(pc) =	sbr.abs _section_cstart, $3  }
0xce: {  	[dreg:$0x1] =	wrdreg $0xFFFFFFFF  }
0xcf: {  	_ =	task.clear_ibuf [dreg:s22], $0x2FFFF;
	_ =	strace $0x9FFFFFFF  }
0xd0: {  	(tm) =	ssettm $0x7FFFFFFF  }
0xd1: {  	_ =	shalt  }
tec
execute0_lowered:
.L_overlay_start_1:
0x0: {  	(tag) =	ssettag $0x1  }
0x1: {  	s1 =	srdreg.scid  }
0x2: {  	s0 =	stileid.u32;
	s4 =	rddreg [dreg:$0x0];
	s2 =	simm.s32 $0x0  }
0x3: {  	s15 =	simm.s32 $0x80;
	s16 =	simm.s32 $0x3200;
	s17 =	simm.s32 $0x5200  }
0x4: {  	s18 =	simm.s32 $0x100;
	s19 =	simm.s32 $0x7200;
	s20 =	simm.s32 $0x180  }
0x5: {  	s21 =	simm.s32 $0x9200;
	s22 =	simm.s32 $0x1;
	s23 =	simm.s32 $0x2  }
0x6: {  	s24 =	simm.s32 $0x3;
	s25 =	simm.s32 $0x4;
	s9 =	smul.u32 $0x190000, s0  }
0x7: {  	s26 =	simm.s32 $0x0;
	s5 =	sand.u32 $0x1, s1;
	s11 =	smul.u32 $0x6400, s0  }
0x8: {  	s3 =	sshll.u32 s0, $0x1;
	[smem:$0x7FF] =	sst s2;
	s29 =	smul.u32 $0x3200, s5  }
0x9: {  	s10 =	sadd.s32 $0x3FF000, s4;
	s6 =	sor.u32 s5, s3;
	s14 =	smul.u32 $0xC8000, s5  }
0xa: {  	_ =	strace $0x8000004A;
	s8 =	ssub.s32 $0x2, s5;
	s7 =	smul.u32 $0x3200, s6  }
0xb: {  	s3 =	sadd.s32 $0x2A00, s4;
	s6 =	smul.u32 $0xC8000, s6;
	s28 =	sshrl.u32 s8, $0x1  }
0xc: {  	s12 =	ssub.s32 s8, s28;
	s8 =	sadd.s32 s29, s11;
	s9 =	sadd.s32 s14, s9  }
0xd: {  	s14 =	simm.s32 $0x5;
	s7 =	sshrl.u32 s7, $0x3;
	s6 =	sshrl.u32 s6, $0x3  }
0xe: {  	s11 =	sshll.u32 s8, $0x3;
	s30 =	sshrl.u32 s9, $0x3;
	s9 =	smax.u32 s12, $0x1  }
0xf: {  	s7 =	sadd.s32 s7, s4;
	s13 =	sadd.s32 s10, s6;
	s31 =	sadd.s32 s11, s10  }
0x10: {  	s10 =	sadd.s32 s30, s10;
	s4 =	sadd.s32 $0x3F2800, s7;
	s5 =	sadd.s32 $0x18000, s13  }
0x11: {  	s6 =	sadd.s32 $0x18400, s13;
	s7 =	sadd.s32 $0x18800, s13;
	s8 =	sadd.s32 $0x18C00, s13  }
0x12: {  	s11 =	sadd.s32 $0xC00, s31;
	s12 =	sadd.s32 $0x800, s31;
	s13 =	sadd.s32 $0x400, s31  }
.LBB2_1:
0x13: {  	[tilespmem:s2], [sflag:$0x5] =	stream.linear.gather [hbm4b:s4+s2], $0x3200, $0x38;
	[tilespmem:$0xB200] =	vst v63  }
0x14: {  	_ =	swait.ge [sflag:s14], $0x3200  }
0x15: {  	[sflag:s14] =	ssyncset.done $0x0  }
0x16: {  	[sflag:s14] =	ssyncadd.s32 $0xFFFFCE00  }
0x17: {  	[tilespmem:s16], [sflag:$0x1] =	stream.indirect.gather [hbm4b:s3+s15], $0x40, s2, s15, $0xb8;
	[tilespmem:$0xB200] =	vst v63  }
0x18: {  	_ = 	snop  }
0x19: {  	[tilespmem:s17], [sflag:$0x2] =	stream.indirect.gather [hbm4b:s3+s15], $0x40, s15, s15, $0xb8;
	[tilespmem:$0xB200] =	vst v63  }
0x1a: {  	_ = 	snop  }
0x1b: {  	[tilespmem:s19], [sflag:$0x3] =	stream.indirect.gather [hbm4b:s3+s15], $0x40, s18, s15, $0xb8;
	[tilespmem:$0xB200] =	vst v63  }
0x1c: {  	_ = 	snop  }
0x1d: {  	[tilespmem:s21], [sflag:$0x4] =	stream.indirect.gather [hbm4b:s3+s15], $0x40, s20, s15, $0xb8;
	[tilespmem:$0xB200] =	vst v63  }
0x1e: {  	_ =	swait.ge [sflag:s22], $0x2000  }
0x1f: {  	[sflag:s22] =	ssyncset.done $0x0  }
0x20: {  	s28 =	sadd.s32 $0x0, s10;
	[sflag:s22] =	ssyncadd.s32 $0xFFFFE000  }
0x21: {  	[hbm4b:s28+s2] =	stream.linear.scatter [tilespmem:s16], [sflag:$0x5], $0x2000, $0x38;
	[tilespmem:$0xB200] =	vst v63  }
0x22: {  	_ =	swait.ge [sflag:s14], $0x2000  }
0x23: {  	[sflag:s14] =	ssyncset.done $0x0  }
0x24: {  	s28 =	simm.s32 $0x200;
	[sflag:s14] =	ssyncadd.s32 $0xFFFFE000  }
0x25: {  	[tilespmem:s16], [sflag:$0x1] =	stream.indirect.gather [hbm4b:s3+s15], $0x40, s28, s15, $0xb8;
	[tilespmem:$0xB200] =	vst v63  }
0x26: {  	_ =	swait.ge [sflag:s23], $0x2000  }
0x27: {  	[sflag:s23] =	ssyncset.done $0x0  }
0x28: {  	s28 =	sadd.s32 $0x0, s13;
	[sflag:s23] =	ssyncadd.s32 $0xFFFFE000  }
0x29: {  	[hbm4b:s28+s2] =	stream.linear.scatter [tilespmem:s17], [sflag:$0x5], $0x2000, $0x38;
	[tilespmem:$0xB200] =	vst v63  }
0x2a: {  	_ =	swait.ge [sflag:s14], $0x2000  }
0x2b: {  	[sflag:s14] =	ssyncset.done $0x0  }
0x2c: {  	s28 =	simm.s32 $0x280;
	[sflag:s14] =	ssyncadd.s32 $0xFFFFE000  }
0x2d: {  	[tilespmem:s17], [sflag:$0x2] =	stream.indirect.gather [hbm4b:s3+s15], $0x40, s28, s15, $0xb8;
	[tilespmem:$0xB200] =	vst v63  }
0x2e: {  	_ =	swait.ge [sflag:s24], $0x2000  }
0x2f: {  	[sflag:s24] =	ssyncset.done $0x0  }
0x30: {  	s28 =	sadd.s32 $0x0, s12;
	[sflag:s24] =	ssyncadd.s32 $0xFFFFE000  }
0x31: {  	[hbm4b:s28+s2] =	stream.linear.scatter [tilespmem:s19], [sflag:$0x5], $0x2000, $0x38;
	[tilespmem:$0xB200] =	vst v63  }
0x32: {  	_ =	swait.ge [sflag:s14], $0x2000  }
0x33: {  	[sflag:s14] =	ssyncset.done $0x0  }
0x34: {  	s28 =	simm.s32 $0x300;
	[sflag:s14] =	ssyncadd.s32 $0xFFFFE000  }
0x35: {  	[tilespmem:s19], [sflag:$0x3] =	stream.indirect.gather [hbm4b:s3+s15], $0x40, s28, s15, $0xb8;
	[tilespmem:$0xB200] =	vst v63  }
0x36: {  	_ =	swait.ge [sflag:s25], $0x2000  }
0x37: {  	[sflag:s25] =	ssyncset.done $0x0  }
0x38: {  	s28 =	sadd.s32 $0x0, s11;
	[sflag:s25] =	ssyncadd.s32 $0xFFFFE000  }
0x39: {  	[hbm4b:s28+s2] =	stream.linear.scatter [tilespmem:s21], [sflag:$0x5], $0x2000, $0x38;
	[tilespmem:$0xB200] =	vst v63  }
0x3a: {  	_ =	swait.ge [sflag:s14], $0x2000  }
0x3b: {  	s29 =	simm.s32 $0x1000;
	[sflag:s14] =	ssyncset.done $0x0  }
0x3c: {  	s30 =	simm.s32 $0x580;
	s28 =	simm.s32 $0x380;
	[sflag:s14] =	ssyncadd.s32 $0xFFFFE000  }
.LBB2_2:
0x3d: {  	[tilespmem:s21], [sflag:$0x4] =	stream.indirect.gather [hbm4b:s3+s15], $0x40, s28, s15, $0xb8;
	[tilespmem:$0xB200] =	vst v63  }
0x3e: {  	s31 =	smov.u32 s29;
	s28 =	smov.u32 s30  }
0x3f: {  	p0 =	sne.s32 s29, $0x17000;
	s29 =	sadd.s32 $0x1000, s29;
	_ =	swait.ge [sflag:s22], $0x2000  }
0x40: {  	[sflag:s22] =	ssyncset.done $0x0  }
0x41: {  	s1 =	sadd.s32 s31, s10;
	[sflag:s22] =	ssyncadd.s32 $0xFFFFE000  }
0x42: {  	[hbm4b:s1+s2] =	stream.linear.scatter [tilespmem:s16], [sflag:$0x5], $0x2000, $0x38;
	[tilespmem:$0xB200] =	vst v63  }
0x43: {  	_ =	swait.ge [sflag:s14], $0x2000  }
0x44: {  	[sflag:s14] =	ssyncset.done $0x0  }
0x45: {  	s1 =	sadd.s32 $0xFFFFFE80, s30;
	[sflag:s14] =	ssyncadd.s32 $0xFFFFE000  }
0x46: {  	[tilespmem:s16], [sflag:$0x1] =	stream.indirect.gather [hbm4b:s3+s15], $0x40, s1, s15, $0xb8;
	[tilespmem:$0xB200] =	vst v63  }
0x47: {  	_ =	swait.ge [sflag:s23], $0x2000  }
0x48: {  	[sflag:s23] =	ssyncset.done $0x0  }
0x49: {  	s1 =	sadd.s32 s31, s13;
	[sflag:s23] =	ssyncadd.s32 $0xFFFFE000  }
0x4a: {  	[hbm4b:s1+s2] =	stream.linear.scatter [tilespmem:s17], [sflag:$0x5], $0x2000, $0x38;
	[tilespmem:$0xB200] =	vst v63  }
0x4b: {  	_ =	swait.ge [sflag:s14], $0x2000  }
0x4c: {  	[sflag:s14] =	ssyncset.done $0x0  }
0x4d: {  	s1 =	sadd.s32 $0xFFFFFF00, s30;
	[sflag:s14] =	ssyncadd.s32 $0xFFFFE000  }
0x4e: {  	[tilespmem:s17], [sflag:$0x2] =	stream.indirect.gather [hbm4b:s3+s15], $0x40, s1, s15, $0xb8;
	[tilespmem:$0xB200] =	vst v63  }
0x4f: {  	_ =	swait.ge [sflag:s24], $0x2000  }
0x50: {  	[sflag:s24] =	ssyncset.done $0x0  }
0x51: {  	s1 =	sadd.s32 s31, s12;
	[sflag:s24] =	ssyncadd.s32 $0xFFFFE000  }
0x52: {  	[hbm4b:s1+s2] =	stream.linear.scatter [tilespmem:s19], [sflag:$0x5], $0x2000, $0x38;
	[tilespmem:$0xB200] =	vst v63  }
0x53: {  	_ =	swait.ge [sflag:s14], $0x2000  }
0x54: {  	[sflag:s14] =	ssyncset.done $0x0  }
0x55: {  	s1 =	sadd.s32 $0xFFFFFF80, s30;
	[sflag:s14] =	ssyncadd.s32 $0xFFFFE000  }
0x56: {  	[tilespmem:s19], [sflag:$0x3] =	stream.indirect.gather [hbm4b:s3+s15], $0x40, s1, s15, $0xb8;
	[tilespmem:$0xB200] =	vst v63  }
0x57: {  	_ =	swait.ge [sflag:s25], $0x2000  }
0x58: {  	[sflag:s25] =	ssyncset.done $0x0  }
.Ltmp0:
0x59: {  	s1 =	sadd.s32 s31, s11;
	[sflag:s25] =	ssyncadd.s32 $0xFFFFE000;
	(pc) =	sbr.rel @p0 .LBB2_2-.Ltmp0, $4  }
0x5a: {  	[hbm4b:s1+s2] =	stream.linear.scatter [tilespmem:s21], [sflag:$0x5], $0x2000, $0x38;
	[tilespmem:$0xB200] =	vst v63  }
0x5b: {  	_ =	swait.ge [sflag:s14], $0x2000  }
0x5c: {  	[sflag:s14] =	ssyncset.done $0x0  }
0x5d: {  	s30 =	sadd.s32 $0x200, s30;
	[sflag:s14] =	ssyncadd.s32 $0xFFFFE000  }
0x5e: {  	[tilespmem:s21], [sflag:$0x4] =	stream.indirect.gather [hbm4b:s3+s15], $0x40, s28, s15, $0xb8;
	[tilespmem:$0xB200] =	vst v63  }
0x5f: {  	_ =	swait.ge [sflag:s22], $0x2000  }
0x60: {  	[sflag:s22] =	ssyncset.done $0x0  }
0x61: {  	[sflag:s22] =	ssyncadd.s32 $0xFFFFE000  }
0x62: {  	[hbm4b:s5+s2] =	stream.linear.scatter [tilespmem:s16], [sflag:$0x5], $0x2000, $0x38;
	[tilespmem:$0xB200] =	vst v63  }
0x63: {  	_ =	swait.ge [sflag:s14], $0x2000  }
0x64: {  	[sflag:s14] =	ssyncset.done $0x0  }
0x65: {  	[sflag:s14] =	ssyncadd.s32 $0xFFFFE000  }
0x66: {  	_ =	swait.ge [sflag:s23], $0x2000  }
0x67: {  	[sflag:s23] =	ssyncset.done $0x0  }
0x68: {  	[sflag:s23] =	ssyncadd.s32 $0xFFFFE000  }
0x69: {  	[hbm4b:s6+s2] =	stream.linear.scatter [tilespmem:s17], [sflag:$0x5], $0x2000, $0x38;
	[tilespmem:$0xB200] =	vst v63  }
0x6a: {  	_ =	swait.ge [sflag:s14], $0x2000  }
0x6b: {  	[sflag:s14] =	ssyncset.done $0x0  }
0x6c: {  	[sflag:s14] =	ssyncadd.s32 $0xFFFFE000  }
0x6d: {  	_ =	swait.ge [sflag:s24], $0x2000  }
0x6e: {  	[sflag:s24] =	ssyncset.done $0x0  }
0x6f: {  	[sflag:s24] =	ssyncadd.s32 $0xFFFFE000  }
0x70: {  	[hbm4b:s7+s2] =	stream.linear.scatter [tilespmem:s19], [sflag:$0x5], $0x2000, $0x38;
	[tilespmem:$0xB200] =	vst v63  }
0x71: {  	_ =	swait.ge [sflag:s14], $0x2000  }
0x72: {  	[sflag:s14] =	ssyncset.done $0x0  }
0x73: {  	[sflag:s14] =	ssyncadd.s32 $0xFFFFE000  }
0x74: {  	s26 =	sadd.s32 $0x1, s26;
	_ =	swait.ge [sflag:s25], $0x2000  }
0x75: {  	p0 =	sne.s32 s26, s9;
	[sflag:s25] =	ssyncset.done $0x0  }
.Ltmp1:
0x76: {  	[sflag:s25] =	ssyncadd.s32 $0xFFFFE000;
	(pc) =	sbr.rel @p0 .LBB2_1-.Ltmp1, $4  }
0x77: {  	[hbm4b:s8+s2] =	stream.linear.scatter [tilespmem:s21], [sflag:$0x5], $0x2000, $0x38;
	[tilespmem:$0xB200] =	vst v63  }
0x78: {  	_ =	swait.ge [sflag:s14], $0x2000  }
0x79: {  	[sflag:s14] =	ssyncset.done $0x0  }
0x7a: {  	[sflag:s14] =	ssyncadd.s32 $0xFFFFE000  }
0x7b: {  	_ =	sfence.sel $0x180000  }
0x7c: {  	[bflag:$0x0] =	sbarrier.arrive $0xFFFF  }
0x7d: {  	_ =	strace $0x9000004A  }
0x7e: {  	[bflag:$0x2] =	sbarrier.arrive $0xFFFF  }
0x7f: {  	p0 =	sne.s32 s0, $0x0;
	s0 =	rddreg [dreg:$0x1]  }
0x80: {  	s0 =	sadd.s32 @!p0 $0x100000, s0  }
0x81: {  	[sflag:s0] =	ssyncadd.tile.s32 @!p0 $0x1;
	_ =	shalt  }
.Lfunc_end2:
_tile_overlayer_lowered:
.L_overlay_start_2:
0x82: {  	(tag) =	ssettag $0x2  }
0x83: {  	s0 =	rddreg [dreg:$0x0];
	s2 =	stileid.u32  }
0x84: {  	s1 =	rddreg [dreg:$0x1];
	p0 =	sne.s32 s2, $0x0  }
0x85: {  	s3 =	rddreg [dreg:$0x2];
	[bflag:$0x3] =	sbarrier.arrive $0xFFFF;
	s2 =	simm.s32 @!p0 $0x1C05  }
0x86: {  	[timem:s3], [sflag:s2] =	dma.local @!p0 [hbm:s0], s1  }
0x87: {  	s0 =	simm.s32 @!p0 $0x5  }
0x88: {  	_ =	swait.ge @!p0 [sflag:s0], s1  }
0x89: {  	s1 =	ssub.s32 @!p0 $0x0, s1;
	[sflag:s0] =	ssyncset.done @!p0 $0x0  }
0x8a: {  	[sflag:s0] =	ssyncadd.s32 @!p0 s1  }
0x8b: {  	[bflag:$0x3] =	sbarrier.arrive $0xFFFF  }
0x8c: {  	_ =	shalt  }

// kernel: kernel.9.cloned.1.call-start
scs
__scs_entry_jumppad:
0x0: {  	(pc) =	sbr.rel $0x88, $3  }
0x1: {  	(tag) =	ssettag $0x0;
	lr =	simm.s32 $0x1  }
0x2: {  	[smem:$0x3F96] =	sst lr;
	_ =	strace $0xD0000000  }
0x3: {  	_ = 	snop  }
0x4: {  	_ = 	snop  }
0x5: {  	_ = 	snop  }
0x6: {  	_ = 	snop  }
0x7: {  	_ = 	snop  }
__scs_overlays_trampoline_lowered:
0x8: {  	[smem:$0x3FA5] =	sst s0  }
0x9: {  	[smem:$0x3FA6] =	sst s1  }
0xa: {  	[smem:$0x3FA7] =	sst s2  }
0xb: {  	[smem:$0x3FA8] =	sst s3  }
0xc: {  	[smem:$0x3FA9] =	sst s4  }
0xd: {  	[smem:$0x3FAA] =	sst s5  }
0xe: {  	[smem:$0x3FAB] =	sst s6  }
0xf: {  	[smem:$0x3FAC] =	sst s7  }
0x10: {  	[smem:$0x3FAD] =	sst s8  }
0x11: {  	[smem:$0x3FAE] =	sst s9;
	s0 =	simm.s32 @!p0 $0x0  }
0x12: {  	s1 =	sld [smem:$0x3F94];
	s0 =	simm.s32 @p0 $0x1  }
0x13: {  	[smem:$0x3FAF] =	sst s0;
	s0 =	simm.s32 @!p1 $0x0  }
0x14: {  	s2 =	sld [smem:$0x3F93];
	s0 =	simm.s32 @p1 $0x1  }
0x15: {  	[smem:$0x3FB0] =	sst s0;
	s0 =	simm.s32 @!p2 $0x0  }
0x16: {  	s3 =	sld [smem:$0x3FDB];
	s0 =	simm.s32 @p2 $0x1  }
0x17: {  	s4 =	simm.s32 $0x1BF5;
	[smem:$0x3FB2] =	sst s0  }
0x18: {  	s0 =	sld [smem:$0x3F95];
	_ =	swait.ge [sflag:s4], $0x0  }
0x19: {  	s7 =	sld [smem:$0x3F96]  }
0x1a: {  	s8 =	sadd.s32 $0xFFFFE003, lr  }
0x1b: {  	s9 =	sadd.s32 $0xFFFFFEF7, lr;
	s5 =	simm.s32 $0xFFFFFFFF;
	p2 =	slt.u32 s8, $0xFFFFF086  }
0x1c: {  	p1 =	slt.u32 s9, $0xF7A;
	s5 =	simm.s32 @!p2 $0x0  }
0x1d: {  	s5 =	simm.s32 @p1 $0x1;
	p0 =	seq.s32 s7, s2  }
0x1e: {  	s7 =	smul.u32 @!p0 $0xF7A, s2;
	p2 =	seq.s32 @!p0 s5, $0x0  }
0x1f: {  	s9 =	smul.u32 $0xF7A, s1;
	s8 =	simm.s32 @!p0 $0x1BF5;
	p2 =	por !p2, p0  }
0x20: {  	[sflag:s8] =	ssyncset.s32 @!p0 $0xFFFFF086;
	s6 =	sadd.s32 @!p0 s3, s7;
	s7 =	simm.s32 @!p0 $0x108  }
0x21: {  	s3 =	sadd.s32 s3, s9;
	s6 =	sadd.s32 @!p0 $0x88, s6;
	s7 =	simm.s32 @p2 $0x1082  }
0x22: {  	[simem:s7], [sflag:s8] =	dma.local @!p0 [hbm:s6], $0xF7A  }
0x23: {  	s9 =	sor.u32 $0xD0000000, s2;
	s6 =	simm.s32 $0x108;
	_ =	swait.ge @!p0 [sflag:s8], $0x0  }
0x24: {  	s3 =	sadd.s32 $0x88, s3;
	s6 =	simm.s32 @!p1 $0x1082;
	[sflag:s4] =	ssyncset.s32 $0xFFFFF086  }
0x25: {  	[simem:s6], [sflag:s4] =	dma.local [hbm:s3], $0xF7A  }
0x26: {  	[smem:$0x3F96] =	sst s1;
	(tag) =	ssettag s2;
	_ =	strace s9  }
0x27: {  	s1 =	sld [smem:$0x3FA6]  }
0x28: {  	s2 =	sld [smem:$0x3FA7]  }
0x29: {  	s4 =	sld [smem:$0x3FA9]  }
0x2a: {  	p0 =	seq.s32 s5, $0x0;
	s5 =	sld [smem:$0x3FAA]  }
0x2b: {  	s6 =	sld [smem:$0x3FAB]  }
0x2c: {  	s7 =	sld [smem:$0x3FAC]  }
0x2d: {  	s3 =	simm.s32 $0x108;
	s8 =	sld [smem:$0x3FAD]  }
0x2e: {  	s3 =	simm.s32 @!p0 $0x1082;
	s9 =	sld [smem:$0x3FAE]  }
0x2f: {  	lr =	sadd.s32 s0, s3;
	s0 =	sld [smem:$0x3FA5]  }
0x30: {  	s3 =	sld [smem:$0x3FA8]  }
0x31: {  	[smem:$0x3FB1] =	sst s10  }
0x32: {  	s10 =	sld [smem:$0x3FAF];
	_ =	sdelay $0x3  }
0x33: {  	p0 =	seq.s32 s10, $0x1;
	s10 =	sld [smem:$0x3FB1];
	_ =	sdelay $0x3  }
0x34: {  	[smem:$0x3FB1] =	sst s10  }
0x35: {  	s10 =	sld [smem:$0x3FB0];
	_ =	sdelay $0x3  }
0x36: {  	p1 =	seq.s32 s10, $0x1;
	s10 =	sld [smem:$0x3FB1];
	_ =	sdelay $0x3  }
0x37: {  	[smem:$0x3FB1] =	sst s10  }
0x38: {  	s10 =	sld [smem:$0x3FB2]  }
0x39: {  	_ = 	snop;
	(pc) =	sbr.ind lr, $3  }
0x3a: {  	_ = 	snop  }
0x3b: {  	_ = 	snop  }
0x3c: {  	p2 =	seq.s32 s10, $0x1;
	s10 =	sld [smem:$0x3FB1]  }
0x3d: {  	_ =	shalt  }
0x3e: {  	_ =	shalt  }
0x3f: {  	_ =	shalt  }
0x40: {  	_ =	shalt  }
0x41: {  	_ =	shalt  }
0x42: {  	_ =	shalt  }
0x43: {  	_ =	shalt  }
0x44: {  	_ =	shalt  }
0x45: {  	_ =	shalt  }
0x46: {  	_ =	shalt  }
0x47: {  	_ =	shalt  }
0x48: {  	_ =	shalt  }
0x49: {  	_ =	shalt  }
0x4a: {  	_ =	shalt  }
0x4b: {  	_ =	shalt  }
0x4c: {  	_ =	shalt  }
0x4d: {  	_ =	shalt  }
0x4e: {  	_ =	shalt  }
0x4f: {  	_ =	shalt  }
0x50: {  	_ =	shalt  }
0x51: {  	_ =	shalt  }
0x52: {  	_ =	shalt  }
0x53: {  	_ =	shalt  }
0x54: {  	_ =	shalt  }
0x55: {  	_ =	shalt  }
0x56: {  	_ =	shalt  }
0x57: {  	_ =	shalt  }
0x58: {  	_ =	shalt  }
0x59: {  	_ =	shalt  }
0x5a: {  	_ =	shalt  }
0x5b: {  	_ =	shalt  }
0x5c: {  	_ =	shalt  }
0x5d: {  	_ =	shalt  }
0x5e: {  	_ =	shalt  }
0x5f: {  	_ =	shalt  }
0x60: {  	_ =	shalt  }
0x61: {  	_ =	shalt  }
0x62: {  	_ =	shalt  }
0x63: {  	_ =	shalt  }
0x64: {  	_ =	shalt  }
0x65: {  	_ =	shalt  }
0x66: {  	_ =	shalt  }
0x67: {  	_ =	shalt  }
0x68: {  	_ =	shalt  }
0x69: {  	_ =	shalt  }
0x6a: {  	_ =	shalt  }
0x6b: {  	_ =	shalt  }
0x6c: {  	_ =	shalt  }
0x6d: {  	_ =	shalt  }
0x6e: {  	_ =	shalt  }
0x6f: {  	_ =	shalt  }
0x70: {  	_ =	shalt  }
0x71: {  	_ =	shalt  }
0x72: {  	_ =	shalt  }
0x73: {  	_ =	shalt  }
0x74: {  	_ =	shalt  }
0x75: {  	_ =	shalt  }
0x76: {  	_ =	shalt  }
0x77: {  	_ =	shalt  }
0x78: {  	_ =	shalt  }
0x79: {  	_ =	shalt  }
0x7a: {  	_ =	shalt  }
0x7b: {  	_ =	shalt  }
0x7c: {  	_ =	shalt  }
0x7d: {  	_ =	shalt  }
0x7e: {  	_ =	shalt  }
0x7f: {  	_ =	shalt  }
0x80: {  	_ =	shalt  }
0x81: {  	_ =	shalt  }
0x82: {  	_ =	shalt  }
0x83: {  	_ =	shalt  }
0x84: {  	_ =	shalt  }
0x85: {  	_ =	shalt  }
0x86: {  	_ =	shalt  }
0x87: {  	_ =	shalt  }
.Lfunc_end0:
.L_simem_size_0:
called_computation.2_lowered:
.L_overlay_start_0:
0x88: {  	s2 =	sld [smem:$0x3FD9]  }
0x89: {  	s3 =	sld [smem:$0x3FFE];
	_ =	sdelay $0x1  }
0x8a: {  	s1 =	srdreg.scid  }
0x8b: {  	s0 =	sand.u32 $0x1, s1  }
0x8c: {  	s16 =	sshll.u32 s0, $0xA;
	s2 =	sadd.s32 s3, s2  }
0x8d: {  	s2 =	sadd.s32 s2, s16  }
0x8e: {  	[smem:$0x3FBD] =	sst s2  }
0x8f: {  	_ = 	snop  }
0x90: {  	(tm) =	ssettm $0x1  }
0x91: {  	s17 =	sld [smem:$0x3FFB];
	_ =	sdelay $0x3  }
0x92: {  	_ =	strace s17  }
0x93: {  	s2 =	sld [smem:$0x3FFC];
	_ =	sdelay $0x3  }
0x94: {  	_ =	strace s2  }
0x95: {  	s2 =	sld [smem:$0x3FFD];
	_ =	sdelay $0x3  }
0x96: {  	_ =	strace s2  }
0x97: {  	_ =	strace $0x8FFFFFFF  }
0x98: {  	s18 =	sld [smem:$0x3FDB];
	_ =	sdelay $0x1  }
0x99: {  	s19 =	simm.s32 $_scs_section_size  }
0x9a: {  	s4 =	simm.s32 $_size__tile_overlayer_lowered;
	s5 =	simm.s32 $_tile_overlayer_lowered  }
0x9b: {  	s22 =	simm.s32 $0x1BFF;
	s21 =	sshll.u32 s5, $0x1;
	s2 =	sadd.s32 s19, s18  }
0x9c: {  	s6 =	simm.s32 $0x0;
	s20 =	sshll.u32 s4, $0x1;
	s4 =	sadd.s32 s21, s2  }
0x9d: {  	[timem:s6], [sflag:s22] =	dma.local [hbm:s4], s20  }
0x9e: {  	_ =	swait.ge [sflag:s22], s20  }
0x9f: {  	s3 =	ssub.s32 $0x0, s20;
	[sflag:s22] =	ssyncset.done $0x0  }
0xa0: {  	[sflag:s22] =	ssyncadd.s32 s3;
	_ =	sdelay $0x1  }
0xa1: {  	s23 =	simm.s32 $0x1B8B  }
0xa2: {  	_ =	swait.ge [sflag:s23], $0x1  }
0xa3: {  	[sflag:s23] =	ssyncset.done $0x0  }
0xa4: {  	s25 =	simm.s32 $0x1B8E;
	s24 =	sld [smem:$0x3FFE];
	[sflag:s23] =	ssyncadd.s32 $0xFFFFFFFF  }
0xa5: {  	s26 =	simm.s32 $execute0_lowered;
	[smem:$0x3FD2] =	sst s25  }
0xa6: {  	s4 =	sshll.u32 s26, $0x1;
	_ =	strace $0x80000046;
	[dreg:$0x1] =	wrdreg $0xFFFFFFFF  }
0xa7: {  	s28 =	simm.s32 $_size_execute0_lowered;
	s2 =	sadd.s32 s2, s4;
	[dreg:$0x0] =	wrdreg $0x0  }
0xa8: {  	s4 =	sshll.u32 s28, $0x1;
	[dreg:$0x2] =	wrdreg s2  }
0xa9: {  	[dreg:$0x3] =	wrdreg s4  }
0xaa: {  	[dreg:$0x4] =	wrdreg $0xC0  }
0xab: {  	_ =	task [dreg:s6], $0x5FFFF  }
0xac: {  	[dreg:$0x1] =	wrdreg $0xFFFFFFFF  }
0xad: {  	[dreg:$0x0] =	wrdreg $0x60  }
0xae: {  	[dreg:$0x2] =	wrdreg s24  }
0xaf: {  	[dreg:$0x3] =	wrdreg $0xA  }
0xb0: {  	_ =	task.clear_ibuf [dreg:s6], $0x4FFFF;
	_ =	strace $0x90000046  }
0xb1: {  	s29 =	simm.s32 $0xA;
	_ =	strace $0x80000048  }
0xb2: {  	_ =	swait.ge [sflag:s29], $0x1  }
0xb3: {  	[sflag:s29] =	ssyncadd.s32 $0xFFFFFFFF  }
0xb4: {  	_ =	strace $0x90000048  }
0xb5: {  	_ =	sfence  }
0xb6: {  	s30 =	sld [smem:$0x0];
	_ =	sdelay $0x2  }
0xb7: {  	s31 =	sshll.u32 s1, $0xD;
	s1 =	sshrl.u32 s1, $0x2  }
0xb8: {  	s3 =	sand.u32 $0x4000, s31;
	s1 =	sadd.s32 s1, s30  }
0xb9: {  	s0 =	sor.u32 s3, s0;
	s1 =	sshll.u32 s1, $0x11  }
0xba: {  	s0 =	sor.u32 s1, s0  }
0xbb: {  	s0 =	sadd.s32 $0x8F2B, s0  }
0xbc: {  	[sflag:s0] =	ssyncadd.remote.s32 $0x1  }
0xbd: {  	_ =	sfence.sel $0xFFFF  }
0xbe: {  	[dreg:$0x0] =	wrdreg $0xFFFFFFFF;
	(pc) =	sbr.abs _section_cstart, $3  }
0xbf: {  	[dreg:$0x1] =	wrdreg $0xFFFFFFFF  }
0xc0: {  	_ =	task.clear_ibuf [dreg:s6], $0x2FFFF;
	_ =	strace $0x9FFFFFFF  }
0xc1: {  	(tm) =	ssettm $0x7FFFFFFF  }
tec
execute0_lowered:
.L_overlay_start_1:
0x0: {  	(tag) =	ssettag $0x1  }
0x1: {  	s1 =	srdreg.scid  }
0x2: {  	s0 =	stileid.u32;
	s4 =	rddreg [dreg:$0x0];
	s2 =	simm.s32 $0x0  }
0x3: {  	s15 =	simm.s32 $0x80;
	s16 =	simm.s32 $0x3200;
	s17 =	simm.s32 $0x5200  }
0x4: {  	s18 =	simm.s32 $0x100;
	s19 =	simm.s32 $0x7200;
	s20 =	simm.s32 $0x180  }
0x5: {  	s21 =	simm.s32 $0x9200;
	s22 =	simm.s32 $0x1;
	s23 =	simm.s32 $0x2  }
0x6: {  	s24 =	simm.s32 $0x3;
	s25 =	simm.s32 $0x4;
	s9 =	smul.u32 $0x190000, s0  }
0x7: {  	s26 =	simm.s32 $0x0;
	s5 =	sand.u32 $0x1, s1;
	s11 =	smul.u32 $0x6400, s0  }
0x8: {  	s3 =	sshll.u32 s0, $0x1;
	[smem:$0x7FF] =	sst s2;
	s29 =	smul.u32 $0x3200, s5  }
0x9: {  	s10 =	sadd.s32 $0xD2800, s4;
	s6 =	sor.u32 s5, s3;
	s14 =	smul.u32 $0xC8000, s5  }
0xa: {  	_ =	strace $0x80000047;
	s8 =	ssub.s32 $0x2, s5;
	s7 =	smul.u32 $0x3200, s6  }
0xb: {  	s3 =	sadd.s32 $0x2A00, s4;
	s6 =	smul.u32 $0xC8000, s6;
	s28 =	sshrl.u32 s8, $0x1  }
0xc: {  	s12 =	ssub.s32 s8, s28;
	s8 =	sadd.s32 s29, s11;
	s9 =	sadd.s32 s14, s9  }
0xd: {  	s14 =	simm.s32 $0x5;
	s7 =	sshrl.u32 s7, $0x3;
	s6 =	sshrl.u32 s6, $0x3  }
0xe: {  	s11 =	sshll.u32 s8, $0x3;
	s30 =	sshrl.u32 s9, $0x3;
	s9 =	smax.u32 s12, $0x1  }
0xf: {  	s7 =	sadd.s32 s7, s4;
	s13 =	sadd.s32 s10, s6;
	s31 =	sadd.s32 s11, s10  }
0x10: {  	s10 =	sadd.s32 s30, s10;
	s4 =	sadd.s32 $0xC6000, s7;
	s5 =	sadd.s32 $0x18000, s13  }
0x11: {  	s6 =	sadd.s32 $0x18400, s13;
	s7 =	sadd.s32 $0x18800, s13;
	s8 =	sadd.s32 $0x18C00, s13  }
0x12: {  	s11 =	sadd.s32 $0xC00, s31;
	s12 =	sadd.s32 $0x800, s31;
	s13 =	sadd.s32 $0x400, s31  }
.LBB2_1:
0x13: {  	[tilespmem:s2], [sflag:$0x5] =	stream.linear.gather [hbm4b:s4+s2], $0x3200, $0x38;
	[tilespmem:$0xB200] =	vst v63  }
0x14: {  	_ =	swait.ge [sflag:s14], $0x3200  }
0x15: {  	[sflag:s14] =	ssyncset.done $0x0  }
0x16: {  	[sflag:s14] =	ssyncadd.s32 $0xFFFFCE00  }
0x17: {  	[tilespmem:s16], [sflag:$0x1] =	stream.indirect.gather [hbm4b:s3+s15], $0x40, s2, s15, $0xb8;
	[tilespmem:$0xB200] =	vst v63  }
0x18: {  	_ = 	snop  }
0x19: {  	[tilespmem:s17], [sflag:$0x2] =	stream.indirect.gather [hbm4b:s3+s15], $0x40, s15, s15, $0xb8;
	[tilespmem:$0xB200] =	vst v63  }
0x1a: {  	_ = 	snop  }
0x1b: {  	[tilespmem:s19], [sflag:$0x3] =	stream.indirect.gather [hbm4b:s3+s15], $0x40, s18, s15, $0xb8;
	[tilespmem:$0xB200] =	vst v63  }
0x1c: {  	_ = 	snop  }
0x1d: {  	[tilespmem:s21], [sflag:$0x4] =	stream.indirect.gather [hbm4b:s3+s15], $0x40, s20, s15, $0xb8;
	[tilespmem:$0xB200] =	vst v63  }
0x1e: {  	_ =	swait.ge [sflag:s22], $0x2000  }
0x1f: {  	[sflag:s22] =	ssyncset.done $0x0  }
0x20: {  	s28 =	sadd.s32 $0x0, s10;
	[sflag:s22] =	ssyncadd.s32 $0xFFFFE000  }
0x21: {  	[hbm4b:s28+s2] =	stream.linear.scatter [tilespmem:s16], [sflag:$0x5], $0x2000, $0x38;
	[tilespmem:$0xB200] =	vst v63  }
0x22: {  	_ =	swait.ge [sflag:s14], $0x2000  }
0x23: {  	[sflag:s14] =	ssyncset.done $0x0  }
0x24: {  	s28 =	simm.s32 $0x200;
	[sflag:s14] =	ssyncadd.s32 $0xFFFFE000  }
0x25: {  	[tilespmem:s16], [sflag:$0x1] =	stream.indirect.gather [hbm4b:s3+s15], $0x40, s28, s15, $0xb8;
	[tilespmem:$0xB200] =	vst v63  }
0x26: {  	_ =	swait.ge [sflag:s23], $0x2000  }
0x27: {  	[sflag:s23] =	ssyncset.done $0x0  }
0x28: {  	s28 =	sadd.s32 $0x0, s13;
	[sflag:s23] =	ssyncadd.s32 $0xFFFFE000  }
0x29: {  	[hbm4b:s28+s2] =	stream.linear.scatter [tilespmem:s17], [sflag:$0x5], $0x2000, $0x38;
	[tilespmem:$0xB200] =	vst v63  }
0x2a: {  	_ =	swait.ge [sflag:s14], $0x2000  }
0x2b: {  	[sflag:s14] =	ssyncset.done $0x0  }
0x2c: {  	s28 =	simm.s32 $0x280;
	[sflag:s14] =	ssyncadd.s32 $0xFFFFE000  }
0x2d: {  	[tilespmem:s17], [sflag:$0x2] =	stream.indirect.gather [hbm4b:s3+s15], $0x40, s28, s15, $0xb8;
	[tilespmem:$0xB200] =	vst v63  }
0x2e: {  	_ =	swait.ge [sflag:s24], $0x2000  }
0x2f: {  	[sflag:s24] =	ssyncset.done $0x0  }
0x30: {  	s28 =	sadd.s32 $0x0, s12;
	[sflag:s24] =	ssyncadd.s32 $0xFFFFE000  }
0x31: {  	[hbm4b:s28+s2] =	stream.linear.scatter [tilespmem:s19], [sflag:$0x5], $0x2000, $0x38;
	[tilespmem:$0xB200] =	vst v63  }
0x32: {  	_ =	swait.ge [sflag:s14], $0x2000  }
0x33: {  	[sflag:s14] =	ssyncset.done $0x0  }
0x34: {  	s28 =	simm.s32 $0x300;
	[sflag:s14] =	ssyncadd.s32 $0xFFFFE000  }
0x35: {  	[tilespmem:s19], [sflag:$0x3] =	stream.indirect.gather [hbm4b:s3+s15], $0x40, s28, s15, $0xb8;
	[tilespmem:$0xB200] =	vst v63  }
0x36: {  	_ =	swait.ge [sflag:s25], $0x2000  }
0x37: {  	[sflag:s25] =	ssyncset.done $0x0  }
0x38: {  	s28 =	sadd.s32 $0x0, s11;
	[sflag:s25] =	ssyncadd.s32 $0xFFFFE000  }
0x39: {  	[hbm4b:s28+s2] =	stream.linear.scatter [tilespmem:s21], [sflag:$0x5], $0x2000, $0x38;
	[tilespmem:$0xB200] =	vst v63  }
0x3a: {  	_ =	swait.ge [sflag:s14], $0x2000  }
0x3b: {  	s29 =	simm.s32 $0x1000;
	[sflag:s14] =	ssyncset.done $0x0  }
0x3c: {  	s30 =	simm.s32 $0x580;
	s28 =	simm.s32 $0x380;
	[sflag:s14] =	ssyncadd.s32 $0xFFFFE000  }
.LBB2_2:
0x3d: {  	[tilespmem:s21], [sflag:$0x4] =	stream.indirect.gather [hbm4b:s3+s15], $0x40, s28, s15, $0xb8;
	[tilespmem:$0xB200] =	vst v63  }
0x3e: {  	s31 =	smov.u32 s29;
	s28 =	smov.u32 s30  }
0x3f: {  	p0 =	sne.s32 s29, $0x17000;
	s29 =	sadd.s32 $0x1000, s29;
	_ =	swait.ge [sflag:s22], $0x2000  }
0x40: {  	[sflag:s22] =	ssyncset.done $0x0  }
0x41: {  	s1 =	sadd.s32 s31, s10;
	[sflag:s22] =	ssyncadd.s32 $0xFFFFE000  }
0x42: {  	[hbm4b:s1+s2] =	stream.linear.scatter [tilespmem:s16], [sflag:$0x5], $0x2000, $0x38;
	[tilespmem:$0xB200] =	vst v63  }
0x43: {  	_ =	swait.ge [sflag:s14], $0x2000  }
0x44: {  	[sflag:s14] =	ssyncset.done $0x0  }
0x45: {  	s1 =	sadd.s32 $0xFFFFFE80, s30;
	[sflag:s14] =	ssyncadd.s32 $0xFFFFE000  }
0x46: {  	[tilespmem:s16], [sflag:$0x1] =	stream.indirect.gather [hbm4b:s3+s15], $0x40, s1, s15, $0xb8;
	[tilespmem:$0xB200] =	vst v63  }
0x47: {  	_ =	swait.ge [sflag:s23], $0x2000  }
0x48: {  	[sflag:s23] =	ssyncset.done $0x0  }
0x49: {  	s1 =	sadd.s32 s31, s13;
	[sflag:s23] =	ssyncadd.s32 $0xFFFFE000  }
0x4a: {  	[hbm4b:s1+s2] =	stream.linear.scatter [tilespmem:s17], [sflag:$0x5], $0x2000, $0x38;
	[tilespmem:$0xB200] =	vst v63  }
0x4b: {  	_ =	swait.ge [sflag:s14], $0x2000  }
0x4c: {  	[sflag:s14] =	ssyncset.done $0x0  }
0x4d: {  	s1 =	sadd.s32 $0xFFFFFF00, s30;
	[sflag:s14] =	ssyncadd.s32 $0xFFFFE000  }
0x4e: {  	[tilespmem:s17], [sflag:$0x2] =	stream.indirect.gather [hbm4b:s3+s15], $0x40, s1, s15, $0xb8;
	[tilespmem:$0xB200] =	vst v63  }
0x4f: {  	_ =	swait.ge [sflag:s24], $0x2000  }
0x50: {  	[sflag:s24] =	ssyncset.done $0x0  }
0x51: {  	s1 =	sadd.s32 s31, s12;
	[sflag:s24] =	ssyncadd.s32 $0xFFFFE000  }
0x52: {  	[hbm4b:s1+s2] =	stream.linear.scatter [tilespmem:s19], [sflag:$0x5], $0x2000, $0x38;
	[tilespmem:$0xB200] =	vst v63  }
0x53: {  	_ =	swait.ge [sflag:s14], $0x2000  }
0x54: {  	[sflag:s14] =	ssyncset.done $0x0  }
0x55: {  	s1 =	sadd.s32 $0xFFFFFF80, s30;
	[sflag:s14] =	ssyncadd.s32 $0xFFFFE000  }
0x56: {  	[tilespmem:s19], [sflag:$0x3] =	stream.indirect.gather [hbm4b:s3+s15], $0x40, s1, s15, $0xb8;
	[tilespmem:$0xB200] =	vst v63  }
0x57: {  	_ =	swait.ge [sflag:s25], $0x2000  }
0x58: {  	[sflag:s25] =	ssyncset.done $0x0  }
.Ltmp0:
0x59: {  	s1 =	sadd.s32 s31, s11;
	[sflag:s25] =	ssyncadd.s32 $0xFFFFE000;
	(pc) =	sbr.rel @p0 .LBB2_2-.Ltmp0, $4  }
0x5a: {  	[hbm4b:s1+s2] =	stream.linear.scatter [tilespmem:s21], [sflag:$0x5], $0x2000, $0x38;
	[tilespmem:$0xB200] =	vst v63  }
0x5b: {  	_ =	swait.ge [sflag:s14], $0x2000  }
0x5c: {  	[sflag:s14] =	ssyncset.done $0x0  }
0x5d: {  	s30 =	sadd.s32 $0x200, s30;
	[sflag:s14] =	ssyncadd.s32 $0xFFFFE000  }
0x5e: {  	[tilespmem:s21], [sflag:$0x4] =	stream.indirect.gather [hbm4b:s3+s15], $0x40, s28, s15, $0xb8;
	[tilespmem:$0xB200] =	vst v63  }
0x5f: {  	_ =	swait.ge [sflag:s22], $0x2000  }
0x60: {  	[sflag:s22] =	ssyncset.done $0x0  }
0x61: {  	[sflag:s22] =	ssyncadd.s32 $0xFFFFE000  }
0x62: {  	[hbm4b:s5+s2] =	stream.linear.scatter [tilespmem:s16], [sflag:$0x5], $0x2000, $0x38;
	[tilespmem:$0xB200] =	vst v63  }
0x63: {  	_ =	swait.ge [sflag:s14], $0x2000  }
0x64: {  	[sflag:s14] =	ssyncset.done $0x0  }
0x65: {  	[sflag:s14] =	ssyncadd.s32 $0xFFFFE000  }
0x66: {  	_ =	swait.ge [sflag:s23], $0x2000  }
0x67: {  	[sflag:s23] =	ssyncset.done $0x0  }
0x68: {  	[sflag:s23] =	ssyncadd.s32 $0xFFFFE000  }
0x69: {  	[hbm4b:s6+s2] =	stream.linear.scatter [tilespmem:s17], [sflag:$0x5], $0x2000, $0x38;
	[tilespmem:$0xB200] =	vst v63  }
0x6a: {  	_ =	swait.ge [sflag:s14], $0x2000  }
0x6b: {  	[sflag:s14] =	ssyncset.done $0x0  }
0x6c: {  	[sflag:s14] =	ssyncadd.s32 $0xFFFFE000  }
0x6d: {  	_ =	swait.ge [sflag:s24], $0x2000  }
0x6e: {  	[sflag:s24] =	ssyncset.done $0x0  }
0x6f: {  	[sflag:s24] =	ssyncadd.s32 $0xFFFFE000  }
0x70: {  	[hbm4b:s7+s2] =	stream.linear.scatter [tilespmem:s19], [sflag:$0x5], $0x2000, $0x38;
	[tilespmem:$0xB200] =	vst v63  }
0x71: {  	_ =	swait.ge [sflag:s14], $0x2000  }
0x72: {  	[sflag:s14] =	ssyncset.done $0x0  }
0x73: {  	[sflag:s14] =	ssyncadd.s32 $0xFFFFE000  }
0x74: {  	s26 =	sadd.s32 $0x1, s26;
	_ =	swait.ge [sflag:s25], $0x2000  }
0x75: {  	p0 =	sne.s32 s26, s9;
	[sflag:s25] =	ssyncset.done $0x0  }
.Ltmp1:
0x76: {  	[sflag:s25] =	ssyncadd.s32 $0xFFFFE000;
	(pc) =	sbr.rel @p0 .LBB2_1-.Ltmp1, $4  }
0x77: {  	[hbm4b:s8+s2] =	stream.linear.scatter [tilespmem:s21], [sflag:$0x5], $0x2000, $0x38;
	[tilespmem:$0xB200] =	vst v63  }
0x78: {  	_ =	swait.ge [sflag:s14], $0x2000  }
0x79: {  	[sflag:s14] =	ssyncset.done $0x0  }
0x7a: {  	[sflag:s14] =	ssyncadd.s32 $0xFFFFE000  }
0x7b: {  	_ =	sfence.sel $0x180000  }
0x7c: {  	[bflag:$0x0] =	sbarrier.arrive $0xFFFF  }
0x7d: {  	_ =	strace $0x90000047  }
0x7e: {  	[bflag:$0x2] =	sbarrier.arrive $0xFFFF  }
0x7f: {  	p0 =	sne.s32 s0, $0x0;
	s0 =	rddreg [dreg:$0x1]  }
0x80: {  	s0 =	sadd.s32 @!p0 $0x100000, s0  }
0x81: {  	[sflag:s0] =	ssyncadd.tile.s32 @!p0 $0x1;
	_ =	shalt  }
.Lfunc_end2:
_tile_overlayer_lowered:
.L_overlay_start_2:
0x82: {  	(tag) =	ssettag $0x2  }
0x83: {  	s0 =	rddreg [dreg:$0x0];
	s2 =	stileid.u32  }
0x84: {  	s1 =	rddreg [dreg:$0x1];
	p0 =	sne.s32 s2, $0x0  }
0x85: {  	s3 =	rddreg [dreg:$0x2];
	[bflag:$0x3] =	sbarrier.arrive $0xFFFF;
	s2 =	simm.s32 @!p0 $0x1C05  }
0x86: {  	[timem:s3], [sflag:s2] =	dma.local @!p0 [hbm:s0], s1  }
0x87: {  	s0 =	simm.s32 @!p0 $0x5  }
0x88: {  	_ =	swait.ge @!p0 [sflag:s0], s1  }
0x89: {  	s1 =	ssub.s32 @!p0 $0x0, s1;
	[sflag:s0] =	ssyncset.done @!p0 $0x0  }
0x8a: {  	[sflag:s0] =	ssyncadd.s32 @!p0 s1  }
0x8b: {  	[bflag:$0x3] =	sbarrier.arrive $0xFFFF  }
0x8c: {  	_ =	shalt  }

// kernel: sparse-core-data-format-call.cloned.1.call-start
scs
called_computation_lowered:
.L_overlay_start_0:
0x0: {  	s2 =	sld [smem:$0x3FD9]  }
0x1: {  	s3 =	sld [smem:$0x3FFE];
	_ =	sdelay $0x1  }
0x2: {  	s1 =	srdreg.scid  }
0x3: {  	s0 =	sand.u32 $0x1, s1  }
0x4: {  	s15 =	sshll.u32 s0, $0xA;
	s2 =	sadd.s32 s3, s2  }
0x5: {  	s2 =	sadd.s32 s2, s15  }
0x6: {  	[smem:$0x3FBD] =	sst s2  }
0x7: {  	_ = 	snop  }
0x8: {  	s2 =	sld [smem:$0x3FD0];
	_ =	sdelay $0x2  }
0x9: {  	s16 =	simm.s32 $0xB;
	s4 =	simm.s32 $0x10  }
0xa: {  	[smem:s4], [sflag:s16] =	dma.local [hbm:s2], $0x1  }
0xb: {  	_ =	swait.eq [sflag:s16], $0x1  }
0xc: {  	[sflag:s16] =	ssyncset.done $0x0  }
0xd: {  	[sflag:s16] =	ssyncadd.s32 $0xFFFFFFFF  }
0xe: {  	s17 =	sld [smem:$0x10];
	(tm) =	ssettm $0x1  }
0xf: {  	s18 =	sld [smem:$0x3FFB];
	_ =	sdelay $0x3  }
0x10: {  	_ =	strace s18  }
0x11: {  	s3 =	sld [smem:$0x3FFC];
	_ =	sdelay $0x3  }
0x12: {  	_ =	strace s3  }
0x13: {  	s3 =	sld [smem:$0x3FFD];
	_ =	sdelay $0x3  }
0x14: {  	_ =	strace s3  }
0x15: {  	_ =	strace $0x8FFFFFFF  }
0x16: {  	s19 =	sld [smem:$0x3FDB];
	_ =	sdelay $0x1  }
0x17: {  	s20 =	simm.s32 $_scs_section_size  }
0x18: {  	s5 =	simm.s32 $_size__tile_overlayer_lowered;
	s6 =	simm.s32 $_tile_overlayer_lowered  }
0x19: {  	s23 =	simm.s32 $0x1BFF;
	s22 =	sshll.u32 s6, $0x1;
	s3 =	sadd.s32 s20, s19  }
0x1a: {  	s7 =	simm.s32 $0x0;
	s21 =	sshll.u32 s5, $0x1;
	s5 =	sadd.s32 s22, s3  }
0x1b: {  	[timem:s7], [sflag:s23] =	dma.local [hbm:s5], s21  }
0x1c: {  	_ =	swait.ge [sflag:s23], s21  }
0x1d: {  	s4 =	ssub.s32 $0x0, s21;
	[sflag:s23] =	ssyncset.done $0x0  }
0x1e: {  	[sflag:s23] =	ssyncadd.s32 s4;
	_ =	sdelay $0x1  }
0x1f: {  	s24 =	simm.s32 $0x1B8B  }
0x20: {  	_ =	swait.ge [sflag:s24], $0x1  }
0x21: {  	[sflag:s24] =	ssyncset.done $0x0  }
0x22: {  	s26 =	simm.s32 $0x1B8E;
	s25 =	sld [smem:$0x3FFE];
	[sflag:s24] =	ssyncadd.s32 $0xFFFFFFFF  }
0x23: {  	s27 =	simm.s32 $execute0_lowered;
	[smem:$0x3FD2] =	sst s26  }
0x24: {  	s5 =	sshll.u32 s27, $0x1;
	_ =	strace $0x8000004C;
	[dreg:$0x1] =	wrdreg $0xFFFFFFFF  }
0x25: {  	s28 =	simm.s32 $_size_execute0_lowered;
	s3 =	sadd.s32 s3, s5;
	[dreg:$0x0] =	wrdreg $0x0  }
0x26: {  	s5 =	sshll.u32 s28, $0x1;
	[dreg:$0x2] =	wrdreg s3  }
0x27: {  	[dreg:$0x3] =	wrdreg s5  }
0x28: {  	[dreg:$0x4] =	wrdreg $0xC0  }
0x29: {  	_ =	task [dreg:s7], $0x5FFFF  }
0x2a: {  	[dreg:$0x1] =	wrdreg $0xFFFFFFFF  }
0x2b: {  	[dreg:$0x0] =	wrdreg $0x60  }
0x2c: {  	[dreg:$0x2] =	wrdreg s25  }
0x2d: {  	[dreg:$0x3] =	wrdreg s17  }
0x2e: {  	[dreg:$0x4] =	wrdreg $0x9  }
0x2f: {  	_ =	task.clear_ibuf [dreg:s7], $0x5FFFF;
	_ =	strace $0x9000004C  }
0x30: {  	s29 =	simm.s32 $0x9;
	_ =	strace $0x8000004E  }
0x31: {  	_ =	swait.ge [sflag:s29], $0x1  }
0x32: {  	[sflag:s29] =	ssyncadd.s32 $0xFFFFFFFF  }
0x33: {  	_ =	strace $0x9000004E  }
0x34: {  	_ =	sfence  }
0x35: {  	s30 =	sld [smem:$0x0];
	_ =	sdelay $0x2  }
0x36: {  	s31 =	sshll.u32 s1, $0xD;
	s1 =	sshrl.u32 s1, $0x2  }
0x37: {  	s3 =	sand.u32 $0x4000, s31;
	s1 =	sadd.s32 s1, s30  }
0x38: {  	s0 =	sor.u32 s3, s0;
	s1 =	sshll.u32 s1, $0x11  }
0x39: {  	s0 =	sor.u32 s1, s0  }
0x3a: {  	s0 =	sadd.s32 $0x8F2B, s0  }
0x3b: {  	[sflag:s0] =	ssyncadd.remote.s32 $0x1  }
0x3c: {  	_ =	sfence.sel $0xFFFF  }
0x3d: {  	[dreg:$0x0] =	wrdreg $0xFFFFFFFF;
	(pc) =	sbr.abs _section_cstart, $3  }
0x3e: {  	[dreg:$0x1] =	wrdreg $0xFFFFFFFF  }
0x3f: {  	_ =	task.clear_ibuf [dreg:s7], $0x2FFFF;
	_ =	strace $0x9FFFFFFF  }
0x40: {  	(tm) =	ssettm $0x7FFFFFFF  }
0x41: {  	_ =	shalt  }
tec
execute0_lowered:
.L_overlay_start_1:
0x0: {  	(tag) =	ssettag $0x1  }
0x1: {  	s0 =	srdreg.scid  }
0x2: {  	s1 =	sshll.u32 s0, $0x4  }
0x3: {  	s0 =	stileid.u32;
	s1 =	sand.u32 $0x10, s1  }
0x4: {  	s1 =	sor.u32 s0, s1  }
0x5: {  	s6 =	rddreg [dreg:$0x0];
	s4 =	simm.s32 $0x1;
	s2 =	sshll.u32 s1, $0x7  }
0x6: {  	s7 =	simm.s32 $0x2;
	s12 =	simm.s32 $0x0;
	s1 =	ssub.s32 $0x1000, s2  }
0x7: {  	s8 =	simm.s32 $0x8000;
	s13 =	simm.s32 $0x0;
	s3 =	sand.u32 $0xF80, s1  }
0x8: {  	s9 =	simm.s32 $0x0;
	s5 =	sshrl.u32 s1, $0xC;
	p0 =	sne.s32 s3, $0x0  }
.Ltmp0:
0x9: {  	s1 =	rddreg [dreg:$0x2];
	s4 =	simm.s32 @!p0 $0x0;
	(pc) =	sbr.rel .LBB1_1-.Ltmp0, $4  }
0xa: {  	s11 =	simm.s32 $0x0;
	s3 =	rddreg [dreg:$0x1];
	s5 =	sadd.s32 s4, s5  }
0xb: {  	_ =	strace $0x8000004D;
	s4 =	simm.s32 $0x1;
	s5 =	smul.u32 $0xC8, s5  }
0xc: {  	s6 =	sadd.s32 $0x2A00, s6;
	s10 =	smov.u32 s2;
	[sflag:s4] =	ssyncpa.u1 $0x0  }
0xd: {  	p0 =	por $0x0, $0x0;
	[sflag:s7] =	ssyncpa.u1 $0x0;
	s7 =	sor.u32 $0x1, s5  }
.LBB1_4:
0xe: {  	s16 =	sshll.u32 s13, $0x3;
	s17 =	sand.u32 $0x78, s13  }
0xf: {  	s30 =	sand.u32 $0x7E00, s13;
	s12 =	sshll.u32 s12, $0xF;
	s16 =	sand.u32 $0xC00, s16  }
0x10: {  	[tilespmem:s15+$0x810 ss:$0x81] =	vst.msk $0xffff, v2;
	s31 =	sand.u32 $0x7, s13;
	s16 =	sor.u32 s17, s16;
	s17 =	sadd.s32 s3, s30  }
0x11: {  	[tilespmem:s15+$0x1020 ss:$0x81] =	vst.msk $0xffff, v0;
	s13 =	sshll.u32 s31, $0x12;
	s12 =	sadd.s32 s12, s17;
	s16 =	sshrl.u32 s16, $0x3  }
0x12: {  	[tilespmem:s15+$0x0 ss:$0x81] =	vst.msk $0xffff, v1;
	s13 =	sor.u32 $0x400, s13;
	s12 =	sadd.s32 s16, s12  }
0x13: {  	[hbm4b:s12+s13] =	stream.strided.scatter [tilespmem:s14], [sflag:$0x2], $0x2000, s8, s13, $0x20;
	[tilespmem:$0x8080] =	vst v63  }
.LBB1_5:
0x14: {  	s14 =	sadd.s32 $0x1, s9  }
0x15: {  	s12 =	sadd.s32 $0x1000, s10;
	s16 =	smov.u32 s10;
	p2 =	sgt.s32 s14, $0xC7  }
0x16: {  	s16 =	smov.u32 @p2 s12  }
0x17: {  	s14 =	simm.s32 @p2 $0x0;
	p2 =	sgt.s32 s16, $0xFFF  }
0x18: {  	s16 =	smov.u32 @p2 s2;
	p2 =	sne.s32 s11, s7  }
.Ltmp1:
0x19: {  	p1 =	slt.u32 s11, $0x2;
	(pc) =	sbr.rel @!p2 .LBB1_6-.Ltmp1, $4  }
0x1a: {  	s15 =	simm.s32 @!p1 $0x2  }
0x1b: {  	s13 =	smov.u32 s10;
	p0 =	por !p0, !p0;
	_ =	swait.ge @!p1 [sflag:s15], $0x2000  }
0x1c: {  	s12 =	smov.u32 s9;
	[sflag:s15] =	ssyncset.done @!p1 $0x0;
	s9 =	smov.u32 s14  }
0x1d: {  	s11 =	sadd.s32 $0x1, s11;
	[sflag:s15] =	ssyncadd.s32 @!p1 $0xFFFFE000;
	s10 =	smov.u32 s16  }
.LBB1_1:
0x1e: {  	p1 =	sge.u32 s11, s5  }
0x1f: {  	s14 =	sand.u32 @!p1 $0x1FFFFFF, s9  }
0x20: {  	s15 =	smulhi.u32 @!p1 $0x147AE15, s14;
	_ =	sdelay $0x1  }
0x21: {  	s15 =	smul.u32 @!p1 $0xC8, s15  }
0x22: {  	s16 =	sxor.u32 @!p1 $0xFFFFFFFF, s11;
	s17 =	smul.u32 @!p1 $0xC80, s10  }
0x23: {  	s31 =	sadd.s32 $0xFFFFFFFF, s11;
	s16 =	sshll.u32 @!p1 s16, $0xD;
	s14 =	ssub.s32 @!p1 s14, s15  }
0x24: {  	s15 =	sand.u32 @!p1 $0x2000, s16;
	s16 =	sadd.s32 @!p1 s6, s17;
	s14 =	sshll.u32 @!p1 s14, $0x4  }
0x25: {  	s17 =	simm.s32 @!p1 $0x6400;
	s14 =	sadd.s32 @!p1 s14, s16;
	s16 =	simm.s32 @!p1 $0x40  }
0x26: {  	[tilespmem:s15], [sflag:$0x1] =	stream.strided.gather @!p1 [hbm4b:s14+s16], $0x2000, s17, s16, $0x38;
	[tilespmem:$0x8080] =	vst v63  }
0x27: {  	p1 =	sge.u32 s31, s5  }
.Ltmp2:
0x28: {  	_ = 	snop;
	(pc) =	sbr.rel @p1 .LBB1_5-.Ltmp2, $1  }
0x29: {  	_ =	sdelay $0x3  }
0x2a: {  	s14 =	simm.s32 $0x1  }
0x2b: {  	_ =	swait.ge [sflag:s4], $0x2000;
	s14 =	simm.s32 @!p0 $0x0  }
0x2c: {  	[sflag:s4] =	ssyncset.done $0x0;
	s15 =	sshll.u32 s14, $0xD  }
0x2d: {  	[sflag:s4] =	ssyncadd.s32 $0xFFFFE000;
	s18 =	sor.u32 $0x20, s15  }
0x2e: {  	s14 =	smul.u32 $0x8100, s14;
	v3 =	vld [tilespmem:s18+$0x10]  }
0x2f: {  	s30 =	sand.u32 $0x1, s11;
	v2 =	vld [tilespmem:s18+$0xFFFFFFF0]  }
0x30: {  	s15 =	smul.u32 $0x8100, s30;
	s14 =	sshrl.u32 s14, $0x2;
	v0 =	vld [tilespmem:s18+$0x0]  }
0x31: {  	v1 =	vld [tilespmem:s18+$0xFFFFFFE0];
	s16 =	sor.u32 $0x4000, s14  }
0x32: {  	s31 =	sshrl.u32 s15, $0x2;
	s15 =	sadd.s32 $0x0, s16  }
0x33: {  	s17 =	simm.s32 $0x4;
	s18 =	sadd.s32 $0x40, s18;
	s14 =	sor.u32 $0x4000, s31;
	[tilespmem:s15+$0x1830 ss:$0x81] =	vst.msk $0xffff, v3  }
.LBB1_3:
0x34: {  	v3 =	vld [tilespmem:s18+$0x10];
	p1 =	sne.s32 s17, $0x1FC;
	[tilespmem:s15+$0x810 ss:$0x81] =	vst.msk $0xffff, v2;
	s19 =	smov.u32 s17;
	s17 =	sadd.s32 $0x4, s17  }
.Ltmp3:
0x35: {  	v2 =	vld [tilespmem:s18+$0xFFFFFFF0];
	[tilespmem:s15+$0x1020 ss:$0x81] =	vst.msk $0xffff, v0;
	(pc) =	sbr.rel @p1 .LBB1_3-.Ltmp3, $4  }
0x36: {  	v0 =	vld [tilespmem:s18+$0x0];
	[tilespmem:s15+$0x0 ss:$0x81] =	vst.msk $0xffff, v1  }
0x37: {  	s15 =	sshra.s32 s19, $0x2;
	v1 =	vld [tilespmem:s18+$0xFFFFFFE0]  }
0x38: {  	s15 =	sadd.s32 s15, s16  }
0x39: {  	s18 =	sadd.s32 $0x40, s18;
	[tilespmem:s15+$0x1830 ss:$0x81] =	vst.msk $0xffff, v3  }
.Ltmp4:
0x3a: {  	_ = 	snop;
	(pc) =	sbr.rel .LBB1_4-.Ltmp4, $1  }
0x3b: {  	_ =	sdelay $0x3  }
.LBB1_6:
0x3c: {  	_ =	sfence.sel $0x180000  }
0x3d: {  	s2 =	simm.s32 $0x1;
	[bflag:$0x0] =	sbarrier.arrive $0xFFFF  }
0x3e: {  	s31 =	simm.s32 $0x2;
	[sflag:s2] =	ssyncpa.u1 $0x1  }
0x3f: {  	[sflag:s31] =	ssyncpa.u1 $0x1  }
0x40: {  	p0 =	sne.s32 s0, $0x0;
	_ =	strace $0x9000004D  }
0x41: {  	s0 =	sadd.s32 @!p0 $0x100000, s1;
	[bflag:$0x2] =	sbarrier.arrive $0xFFFF  }
0x42: {  	[sflag:s0] =	ssyncadd.tile.s32 @!p0 $0x1;
	_ =	shalt  }
.Lfunc_end1:
_tile_overlayer_lowered:
.L_overlay_start_2:
0x43: {  	(tag) =	ssettag $0x2  }
0x44: {  	s0 =	rddreg [dreg:$0x0];
	s2 =	stileid.u32  }
0x45: {  	s1 =	rddreg [dreg:$0x1];
	p0 =	sne.s32 s2, $0x0  }
0x46: {  	s3 =	rddreg [dreg:$0x2];
	[bflag:$0x3] =	sbarrier.arrive $0xFFFF;
	s2 =	simm.s32 @!p0 $0x1C01  }
0x47: {  	[timem:s3], [sflag:s2] =	dma.local @!p0 [hbm:s0], s1  }
0x48: {  	s0 =	simm.s32 @!p0 $0x1  }
0x49: {  	_ =	swait.ge @!p0 [sflag:s0], s1  }
0x4a: {  	s1 =	ssub.s32 @!p0 $0x0, s1;
	[sflag:s0] =	ssyncset.done @!p0 $0x0  }
0x4b: {  	[sflag:s0] =	ssyncadd.s32 @!p0 s1  }
0x4c: {  	[bflag:$0x3] =	sbarrier.arrive $0xFFFF  }
0x4d: {  	_ =	shalt  }

</sc_bundles>
